<compile_context>
chip_gen: v7x
topology: tpu7x:2x2x1
jax: 0.10.2.dev20260603
libtpu: 0.0.44.dev20260713+nightly
codegen_flags: <defaults>
</compile_context>

<pallas_src>
import functools

import jax
import jax.numpy as jnp
from jax import lax
from jax.experimental import pallas as pl
from jax.experimental.pallas import tpu as pltpu
from jax.experimental.pallas import tpu_sc as plsc

SEQ_GRP = 2
NBUF = 3


def _chunks(S):
    out, off = [], 0
    while S - off > 128:
        out.append((off, 104))
        off += 104
    out.append((off, S - off))
    return out


def _make_sc_kernel(B, S, D):
    nc, ns = 2, 16
    nw = nc * ns
    rows_per_w = B // nw
    n_groups = rows_per_w // SEQ_GRP
    chunks = _chunks(S)
    mesh = plsc.VectorSubcoreMesh(core_axis_name="c", subcore_axis_name="s",
                                  num_cores=nc, num_subcores=ns)

    @functools.partial(
        pl.kernel,
        out_type=jax.ShapeDtypeStruct((B, S, D), jnp.float32),
        mesh=mesh,
        scratch_types=[
            pltpu.VMEM((rows_per_w, S), jnp.int32),
            pltpu.VMEM_SHARED((S, D), jnp.float32),
            pltpu.VMEM((NBUF, SEQ_GRP, S, D), jnp.float32),
            [pltpu.SemaphoreType.DMA] * NBUF,
            [pltpu.SemaphoreType.DMA] * NBUF,
            [pltpu.SemaphoreType.DMA] * NBUF,
        ],
        compiler_params=pltpu.CompilerParams(use_tc_tiling_on_sc=False),
    )
    def k(x_hbm, table_hbm, pos_hbm, out_hbm, idx_v, pos_sh, dest,
          sem_pre, sem_gat, sem_wb):
        sid = lax.axis_index("s")
        wid = sid * nc + lax.axis_index("c")
        row0 = wid * rows_per_w
        pltpu.sync_copy(x_hbm.at[pl.ds(row0, rows_per_w)], idx_v)

        @pl.when(sid == 0)
        def _fill_pos():
            pltpu.sync_copy(pos_hbm.at[pl.ds(0, S)], pos_sh)

        plsc.subcore_barrier()

        def gathers(g, b):
            ds = []
            for r in range(SEQ_GRP):
                for off, ln in chunks:
                    ds.append(pltpu.make_async_copy(
                        table_hbm.at[
                            idx_v.at[g * SEQ_GRP + r, pl.ds(off, ln)]],
                        dest.at[b, r, pl.ds(off, ln)],
                        sem_gat[b]))
            return ds

        def prefills(b):
            return [pltpu.make_async_copy(pos_sh, dest.at[b, r], sem_pre[b])
                    for r in range(SEQ_GRP)]

        def writeback(g, b):
            return pltpu.make_async_copy(
                dest.at[b], out_hbm.at[pl.ds(row0 + g * SEQ_GRP, SEQ_GRP)],
                sem_wb[b])

        def step(t, b):
            @pl.when(jnp.logical_and(t >= NBUF, t < n_groups))
            def _wait_wb():
                writeback(t - NBUF, b).wait()

            @pl.when(t < n_groups)
            def _pre():
                for d in prefills(b):
                    d.start()

            bg = (b - 1) % NBUF

            @pl.when(jnp.logical_and(t - 1 >= 0, t - 1 < n_groups))
            def _gat():
                for d in prefills(bg):
                    d.wait()
                for d in gathers(t - 1, bg):
                    d.start(add=True)

            bw = (b - 2) % NBUF

            @pl.when(jnp.logical_and(t - 2 >= 0, t - 2 < n_groups))
            def _wb():
                for d in gathers(t - 2, bw):
                    d.wait()
                writeback(t - 2, bw).start()

        n_steps = n_groups + 2
        n_outer = -(-n_steps // NBUF)

        def outer(i, carry):
            for b in range(NBUF):
                step(i * NBUF + b, b)
            return carry

        lax.fori_loop(0, n_outer, outer, 0)

        for g in range(n_groups - min(NBUF, n_groups), n_groups):
            writeback(g, g % NBUF).wait()

    return k


def kernel(x, emb_table, pos_emb):
    B, S = x.shape
    V, D = emb_table.shape
    tab = lax.optimization_barrier(
        emb_table.reshape(V // 2, 2 * D)).reshape(V, D)
    return _make_sc_kernel(B, S, D)(x.astype(jnp.int32), tab, pos_emb)

# --- scband reference (transcript-rebuilt; emitter-appended) ---
"""Pipeline reference for scband-embedding-with-position-60292750901447 (READ-ONLY COPY).

The authoritative reference and input builder live on the scoring server;
editing this copy changes nothing except your own understanding.
"""

import jax, jax.numpy as jnp
import numpy as np

VOCAB = 1000000
EMB = 64
SEQ_MAX_LEN = 5000
BATCH = 1024
SEQ = 200

def _make_pos_emb():
    pos = np.arange(SEQ_MAX_LEN, dtype=np.float32)[:, None]
    div = np.power(10000.0, np.arange(0, EMB, 2, dtype=np.float32) / EMB)
    fill = pos / div
    pe = np.zeros((SEQ_MAX_LEN, EMB), dtype=np.float32)
    pe[:, 0::2] = np.sin(fill)
    pe[:, 1::2] = np.cos(fill)
    return jnp.asarray(pe)

def setup_inputs(seed: int = 0) -> dict:
    key = jax.random.key(seed)
    k1, k2 = jax.random.split(key)
    x = jax.random.randint(k1, (BATCH, SEQ), 0, VOCAB, dtype=jnp.int64 if jax.config.jax_enable_x64 else jnp.int32)
    emb_table = jax.random.normal(k2, (VOCAB, EMB), dtype=jnp.float32)
    pos_emb = _make_pos_emb()
    return {"x": x, "emb_table": emb_table, "pos_emb": pos_emb}

def reference(x, emb_table, pos_emb):
    # nn.Embedding lookup -> gather
    x_emb = jnp.take(emb_table, x, axis=0)  # [B, S, EMB]
    seq_len = x.shape[1]
    out = x_emb + pos_emb[None, :seq_len, :]
    # dropout is identity in eval mode
    return out

if __name__ == "__main__":
    import jax
    _d = setup_inputs()
    print(jax.jit(kernel)(*tuple(_d.values())))

</pallas_src>

<mosaic_0001>
#map = affine_map<(d0, d1) -> (0, 0)>
#map1 = affine_map<(d0, d1) -> (0, 0, 0)>
module attributes {stable_mosaic.version = 14 : i64} {
  func.func @k(%arg0: i32, %arg1: i32, %arg2: memref<1024x200xi32, #tpu.memory_space<hbm>>, %arg3: memref<1000000x64xf32, #tpu.memory_space<hbm>>, %arg4: memref<5000x64xf32, #tpu.memory_space<hbm>>, %arg5: memref<1024x200x64xf32, #tpu.memory_space<hbm>>, %arg6: memref<32x200xi32, #tpu.memory_space<vmem>>, %arg7: memref<200x64xf32, #tpu.memory_space<vmem_shared>>, %arg8: memref<3x2x200x64xf32, #tpu.memory_space<vmem>>, %arg9: memref<!tpu.dma_semaphore, #tpu.memory_space<semaphore_mem>>, %arg10: memref<!tpu.dma_semaphore, #tpu.memory_space<semaphore_mem>>, %arg11: memref<!tpu.dma_semaphore, #tpu.memory_space<semaphore_mem>>, %arg12: memref<!tpu.dma_semaphore, #tpu.memory_space<semaphore_mem>>, %arg13: memref<!tpu.dma_semaphore, #tpu.memory_space<semaphore_mem>>, %arg14: memref<!tpu.dma_semaphore, #tpu.memory_space<semaphore_mem>>, %arg15: memref<!tpu.dma_semaphore, #tpu.memory_space<semaphore_mem>>, %arg16: memref<!tpu.dma_semaphore, #tpu.memory_space<semaphore_mem>>, %arg17: memref<!tpu.dma_semaphore, #tpu.memory_space<semaphore_mem>>) attributes {dimension_semantics = [#tpu.dimension_semantics<core_parallel>, #tpu.dimension_semantics<subcore_parallel>], iteration_bounds = array<i64: 2, 16>, scalar_prefetch = 0 : i64, scratch_operands = 12 : i64, tpu.core_type = #tpu.core_type<sc_vector_subcore>, window_params = [{transform_indices = #map}, {transform_indices = #map}, {transform_indices = #map}, {transform_indices = #map1}]} {
    %mul3A = arith.constant 2 : i32
    %mul3A_0 = arith.muli %arg1, %mul3A : i32
    %add3A = arith.addi %mul3A_0, %arg0 : i32
    %mul3A_1 = arith.constant 32 : i32
    %mul3A_2 = arith.muli %add3A, %mul3A_1 : i32
    "tpu.region"() ({
      %run_scoped3A = tpu.sem_alloc : memref<!tpu.dma_semaphore, #tpu.memory_space<semaphore_mem>>
      %dma_start3A = arith.constant 0 : i32
      %dma_start3A_66 = tpu.memref_slice %arg2[%mul3A_2, %dma_start3A] : memref<1024x200xi32, #tpu.memory_space<hbm>> -> memref<32x200xi32, #tpu.memory_space<hbm>>
      %dma_start3A_67 = arith.constant 0 : i32
      %dma_start3A_68 = tpu.memref_slice %arg2[%mul3A_2, %dma_start3A_67] : memref<1024x200xi32, #tpu.memory_space<hbm>> -> memref<32x200xi32, #tpu.memory_space<hbm>>
      tpu.enqueue_dma source(%dma_start3A_68 : memref<32x200xi32, #tpu.memory_space<hbm>>) target(%arg6 : memref<32x200xi32, #tpu.memory_space<vmem>>) target_semaphore(%run_scoped3A : memref<!tpu.dma_semaphore, #tpu.memory_space<semaphore_mem>>)
      %dma_wait3A_69 = arith.constant 0 : i32
      %dma_wait3A_70 = tpu.memref_slice %arg2[%mul3A_2, %dma_wait3A_69] : memref<1024x200xi32, #tpu.memory_space<hbm>> -> memref<32x200xi32, #tpu.memory_space<hbm>>
      %dma_wait3A_71 = arith.constant 0 : i32
      %dma_wait3A_72 = tpu.memref_slice %arg2[%mul3A_2, %dma_wait3A_71] : memref<1024x200xi32, #tpu.memory_space<hbm>> -> memref<32x200xi32, #tpu.memory_space<hbm>>
      tpu.wait_dma2 semaphore(%run_scoped3A : memref<!tpu.dma_semaphore, #tpu.memory_space<semaphore_mem>>) src(%dma_wait3A_72 : memref<32x200xi32, #tpu.memory_space<hbm>>) dst(%arg6 : memref<32x200xi32, #tpu.memory_space<vmem>>)
      tpu.yield
    }) : () -> ()
    %eq3A = arith.constant 0 : i32
    %eq3A_3 = arith.cmpi eq, %arg1, %eq3A : i32
    %convert_element_type3A = arith.extui %eq3A_3 : i1 to i32
    %cond3A = arith.constant 0 : i32
    %cond3A_4 = arith.cmpi ne, %convert_element_type3A, %cond3A : i32
    scf.if %cond3A_4 {
      "tpu.region"() ({
        %run_scoped3A = tpu.sem_alloc : memref<!tpu.dma_semaphore, #tpu.memory_space<semaphore_mem>>
        %dma_start3A = arith.constant 0 : i32
        %dma_start3A_66 = arith.constant 0 : i32
        %dma_start3A_67 = tpu.memref_slice %arg4[%dma_start3A, %dma_start3A_66] : memref<5000x64xf32, #tpu.memory_space<hbm>> -> memref<200x64xf32, #tpu.memory_space<hbm>>
        tpu.enqueue_dma source(%dma_start3A_67 : memref<200x64xf32, #tpu.memory_space<hbm>>) target(%arg7 : memref<200x64xf32, #tpu.memory_space<vmem_shared>>) target_semaphore(%run_scoped3A : memref<!tpu.dma_semaphore, #tpu.memory_space<semaphore_mem>>)
        %dma_wait3A_68 = arith.constant 0 : i32
        %dma_wait3A_69 = arith.constant 0 : i32
        %dma_wait3A_70 = tpu.memref_slice %arg4[%dma_wait3A_68, %dma_wait3A_69] : memref<5000x64xf32, #tpu.memory_space<hbm>> -> memref<200x64xf32, #tpu.memory_space<hbm>>
        tpu.wait_dma2 semaphore(%run_scoped3A : memref<!tpu.dma_semaphore, #tpu.memory_space<semaphore_mem>>) src(%dma_wait3A_70 : memref<200x64xf32, #tpu.memory_space<hbm>>) dst(%arg7 : memref<200x64xf32, #tpu.memory_space<vmem_shared>>)
        tpu.yield
      }) : () -> ()
    } else {
    }
    %barrier3A = arith.constant 0 : index
    tpu.barrier barrier_id(%barrier3A)
    %scan3A = arith.constant 0 : i32
    %scan3A_5 = arith.constant 0 : i32
    %scan3A_6 = arith.constant 6 : i32
    %scan3A_7 = arith.addi %scan3A_5, %scan3A_6 : i32
    %scan3A_8 = arith.constant 1 : i32
    scf.for %scan3A_66 = %scan3A_5 to %scan3A_7 step %scan3A_8  : i32 {
      %mul3A_67 = arith.constant 3 : i32
      %mul3A_68 = arith.muli %scan3A_66, %mul3A_67 : i32
      %add3A_69 = arith.constant 0 : i32
      %add3A_70 = arith.addi %mul3A_68, %add3A_69 : i32
      %ge3A = arith.constant 3 : i32
      %ge3A_71 = arith.cmpi sge, %add3A_70, %ge3A : i32
      %lt3A = arith.constant 16 : i32
      %lt3A_72 = arith.cmpi slt, %add3A_70, %lt3A : i32
      %and3A = arith.andi %ge3A_71, %lt3A_72 : i1
      %convert_element_type3A_73 = arith.extui %and3A : i1 to i32
      %cond3A_74 = arith.constant 0 : i32
      %cond3A_75 = arith.cmpi ne, %convert_element_type3A_73, %cond3A_74 : i32
      scf.if %cond3A_75 {
        %sub3A_186 = arith.constant 3 : i32
        %sub3A_187 = arith.subi %add3A_70, %sub3A_186 : i32
        %mul3A_188 = arith.constant 2 : i32
        %mul3A_189 = arith.muli %sub3A_187, %mul3A_188 : i32
        %add3A_190 = arith.addi %mul3A_2, %mul3A_189 : i32
        %dma_wait3A_191 = arith.constant 0 : i32
        %dma_wait3A_192 = arith.constant 0 : i32
        %dma_wait3A_193 = arith.constant 0 : i32
        %dma_wait3A_194 = arith.constant 0 : i32
        %dma_wait3A_195 = tpu.memref_slice %arg8[%dma_wait3A_191, %dma_wait3A_192, %dma_wait3A_193, %dma_wait3A_194] : memref<3x2x200x64xf32, #tpu.memory_space<vmem>> -> memref<1x2x200x64xf32, #tpu.memory_space<vmem>>
        %dma_wait3A_196 = tpu.memref_squeeze %dma_wait3A_195 : memref<1x2x200x64xf32, #tpu.memory_space<vmem>> -> memref<2x200x64xf32, #tpu.memory_space<vmem>>
        %dma_wait3A_197 = arith.constant 0 : i32
        %dma_wait3A_198 = arith.constant 0 : i32
        %dma_wait3A_199 = tpu.memref_slice %arg5[%add3A_190, %dma_wait3A_197, %dma_wait3A_198] : memref<1024x200x64xf32, #tpu.memory_space<hbm>> -> memref<2x200x64xf32, #tpu.memory_space<hbm>>
        %dma_wait3A_200 = arith.constant 0 : i32
        %dma_wait3A_201 = arith.constant 0 : i32
        %dma_wait3A_202 = tpu.memref_slice %arg5[%add3A_190, %dma_wait3A_200, %dma_wait3A_201] : memref<1024x200x64xf32, #tpu.memory_space<hbm>> -> memref<2x200x64xf32, #tpu.memory_space<hbm>>
        %dma_wait3A_203 = arith.constant 0 : i32
        %dma_wait3A_204 = arith.constant 0 : i32
        %dma_wait3A_205 = arith.constant 0 : i32
        %dma_wait3A_206 = tpu.memref_slice %arg8[%dma_wait3A_191, %dma_wait3A_203, %dma_wait3A_204, %dma_wait3A_205] : memref<3x2x200x64xf32, #tpu.memory_space<vmem>> -> memref<1x2x200x64xf32, #tpu.memory_space<vmem>>
        %dma_wait3A_207 = tpu.memref_squeeze %dma_wait3A_206 : memref<1x2x200x64xf32, #tpu.memory_space<vmem>> -> memref<2x200x64xf32, #tpu.memory_space<vmem>>
        tpu.wait_dma2 semaphore(%arg15 : memref<!tpu.dma_semaphore, #tpu.memory_space<semaphore_mem>>) src(%dma_wait3A_207 : memref<2x200x64xf32, #tpu.memory_space<vmem>>) dst(%dma_wait3A_202 : memref<2x200x64xf32, #tpu.memory_space<hbm>>)
      } else {
      }
      %lt3A_76 = arith.constant 16 : i32
      %lt3A_77 = arith.cmpi slt, %add3A_70, %lt3A_76 : i32
      %convert_element_type3A_78 = arith.extui %lt3A_77 : i1 to i32
      %cond3A_79 = arith.constant 0 : i32
      %cond3A_80 = arith.cmpi ne, %convert_element_type3A_78, %cond3A_79 : i32
      scf.if %cond3A_80 {
        %dma_start3A = arith.constant 0 : i32
        %dma_start3A_186 = arith.constant 0 : i32
        %dma_start3A_187 = arith.constant 0 : i32
        %dma_start3A_188 = arith.constant 0 : i32
        %dma_start3A_189 = tpu.memref_slice %arg8[%dma_start3A, %dma_start3A_186, %dma_start3A_187, %dma_start3A_188] : memref<3x2x200x64xf32, #tpu.memory_space<vmem>> -> memref<1x1x200x64xf32, #tpu.memory_space<vmem>>
        %dma_start3A_190 = tpu.memref_squeeze %dma_start3A_189 : memref<1x1x200x64xf32, #tpu.memory_space<vmem>> -> memref<200x64xf32, #tpu.memory_space<vmem>>
        %dma_start3A_191 = arith.constant 0 : i32
        %dma_start3A_192 = arith.constant 0 : i32
        %dma_start3A_193 = tpu.memref_slice %arg8[%dma_start3A, %dma_start3A_186, %dma_start3A_191, %dma_start3A_192] : memref<3x2x200x64xf32, #tpu.memory_space<vmem>> -> memref<1x1x200x64xf32, #tpu.memory_space<vmem>>
        %dma_start3A_194 = tpu.memref_squeeze %dma_start3A_193 : memref<1x1x200x64xf32, #tpu.memory_space<vmem>> -> memref<200x64xf32, #tpu.memory_space<vmem>>
        tpu.enqueue_dma source(%arg7 : memref<200x64xf32, #tpu.memory_space<vmem_shared>>) target(%dma_start3A_194 : memref<200x64xf32, #tpu.memory_space<vmem>>) target_semaphore(%arg9 : memref<!tpu.dma_semaphore, #tpu.memory_space<semaphore_mem>>)
        %dma_start3A_195 = arith.constant 0 : i32
        %dma_start3A_196 = arith.constant 1 : i32
        %dma_start3A_197 = arith.constant 0 : i32
        %dma_start3A_198 = arith.constant 0 : i32
        %dma_start3A_199 = tpu.memref_slice %arg8[%dma_start3A_195, %dma_start3A_196, %dma_start3A_197, %dma_start3A_198] : memref<3x2x200x64xf32, #tpu.memory_space<vmem>> -> memref<1x1x200x64xf32, #tpu.memory_space<vmem>>
        %dma_start3A_200 = tpu.memref_squeeze %dma_start3A_199 : memref<1x1x200x64xf32, #tpu.memory_space<vmem>> -> memref<200x64xf32, #tpu.memory_space<vmem>>
        %dma_start3A_201 = arith.constant 0 : i32
        %dma_start3A_202 = arith.constant 0 : i32
        %dma_start3A_203 = tpu.memref_slice %arg8[%dma_start3A_195, %dma_start3A_196, %dma_start3A_201, %dma_start3A_202] : memref<3x2x200x64xf32, #tpu.memory_space<vmem>> -> memref<1x1x200x64xf32, #tpu.memory_space<vmem>>
        %dma_start3A_204 = tpu.memref_squeeze %dma_start3A_203 : memref<1x1x200x64xf32, #tpu.memory_space<vmem>> -> memref<200x64xf32, #tpu.memory_space<vmem>>
        tpu.enqueue_dma source(%arg7 : memref<200x64xf32, #tpu.memory_space<vmem_shared>>) target(%dma_start3A_204 : memref<200x64xf32, #tpu.memory_space<vmem>>) target_semaphore(%arg9 : memref<!tpu.dma_semaphore, #tpu.memory_space<semaphore_mem>>)
      } else {
      }
      %sub3A = arith.constant 1 : i32
      %sub3A_81 = arith.subi %add3A_70, %sub3A : i32
      %ge3A_82 = arith.constant 0 : i32
      %ge3A_83 = arith.cmpi sge, %sub3A_81, %ge3A_82 : i32
      %sub3A_84 = arith.constant 1 : i32
      %sub3A_85 = arith.subi %add3A_70, %sub3A_84 : i32
      %lt3A_86 = arith.constant 16 : i32
      %lt3A_87 = arith.cmpi slt, %sub3A_85, %lt3A_86 : i32
      %and3A_88 = arith.andi %ge3A_83, %lt3A_87 : i1
      %convert_element_type3A_89 = arith.extui %and3A_88 : i1 to i32
      %cond3A_90 = arith.constant 0 : i32
      %cond3A_91 = arith.cmpi ne, %convert_element_type3A_89, %cond3A_90 : i32
      scf.if %cond3A_91 {
        %dma_wait3A_186 = arith.constant 2 : i32
        %dma_wait3A_187 = arith.constant 0 : i32
        %dma_wait3A_188 = arith.constant 0 : i32
        %dma_wait3A_189 = arith.constant 0 : i32
        %dma_wait3A_190 = tpu.memref_slice %arg8[%dma_wait3A_186, %dma_wait3A_187, %dma_wait3A_188, %dma_wait3A_189] : memref<3x2x200x64xf32, #tpu.memory_space<vmem>> -> memref<1x1x200x64xf32, #tpu.memory_space<vmem>>
        %dma_wait3A_191 = tpu.memref_squeeze %dma_wait3A_190 : memref<1x1x200x64xf32, #tpu.memory_space<vmem>> -> memref<200x64xf32, #tpu.memory_space<vmem>>
        %dma_wait3A_192 = arith.constant 0 : i32
        %dma_wait3A_193 = arith.constant 0 : i32
        %dma_wait3A_194 = tpu.memref_slice %arg8[%dma_wait3A_186, %dma_wait3A_187, %dma_wait3A_192, %dma_wait3A_193] : memref<3x2x200x64xf32, #tpu.memory_space<vmem>> -> memref<1x1x200x64xf32, #tpu.memory_space<vmem>>
        %dma_wait3A_195 = tpu.memref_squeeze %dma_wait3A_194 : memref<1x1x200x64xf32, #tpu.memory_space<vmem>> -> memref<200x64xf32, #tpu.memory_space<vmem>>
        tpu.wait_dma2 semaphore(%arg11 : memref<!tpu.dma_semaphore, #tpu.memory_space<semaphore_mem>>) src(%arg7 : memref<200x64xf32, #tpu.memory_space<vmem_shared>>) dst(%dma_wait3A_195 : memref<200x64xf32, #tpu.memory_space<vmem>>)
        %dma_wait3A_196 = arith.constant 2 : i32
        %dma_wait3A_197 = arith.constant 1 : i32
        %dma_wait3A_198 = arith.constant 0 : i32
        %dma_wait3A_199 = arith.constant 0 : i32
        %dma_wait3A_200 = tpu.memref_slice %arg8[%dma_wait3A_196, %dma_wait3A_197, %dma_wait3A_198, %dma_wait3A_199] : memref<3x2x200x64xf32, #tpu.memory_space<vmem>> -> memref<1x1x200x64xf32, #tpu.memory_space<vmem>>
        %dma_wait3A_201 = tpu.memref_squeeze %dma_wait3A_200 : memref<1x1x200x64xf32, #tpu.memory_space<vmem>> -> memref<200x64xf32, #tpu.memory_space<vmem>>
        %dma_wait3A_202 = arith.constant 0 : i32
        %dma_wait3A_203 = arith.constant 0 : i32
        %dma_wait3A_204 = tpu.memref_slice %arg8[%dma_wait3A_196, %dma_wait3A_197, %dma_wait3A_202, %dma_wait3A_203] : memref<3x2x200x64xf32, #tpu.memory_space<vmem>> -> memref<1x1x200x64xf32, #tpu.memory_space<vmem>>
        %dma_wait3A_205 = tpu.memref_squeeze %dma_wait3A_204 : memref<1x1x200x64xf32, #tpu.memory_space<vmem>> -> memref<200x64xf32, #tpu.memory_space<vmem>>
        tpu.wait_dma2 semaphore(%arg11 : memref<!tpu.dma_semaphore, #tpu.memory_space<semaphore_mem>>) src(%arg7 : memref<200x64xf32, #tpu.memory_space<vmem_shared>>) dst(%dma_wait3A_205 : memref<200x64xf32, #tpu.memory_space<vmem>>)
        %sub3A_206 = arith.constant 1 : i32
        %sub3A_207 = arith.subi %add3A_70, %sub3A_206 : i32
        %mul3A_208 = arith.constant 2 : i32
        %mul3A_209 = arith.muli %sub3A_207, %mul3A_208 : i32
        %add3A_210 = arith.constant 0 : i32
        %add3A_211 = arith.addi %mul3A_209, %add3A_210 : i32
        %mul3A_212 = arith.constant 2 : i32
        %mul3A_213 = arith.muli %sub3A_207, %mul3A_212 : i32
        %add3A_214 = arith.constant 0 : i32
        %add3A_215 = arith.addi %mul3A_213, %add3A_214 : i32
        %mul3A_216 = arith.constant 2 : i32
        %mul3A_217 = arith.muli %sub3A_207, %mul3A_216 : i32
        %add3A_218 = arith.constant 1 : i32
        %add3A_219 = arith.addi %mul3A_217, %add3A_218 : i32
        %mul3A_220 = arith.constant 2 : i32
        %mul3A_221 = arith.muli %sub3A_207, %mul3A_220 : i32
        %add3A_222 = arith.constant 1 : i32
        %add3A_223 = arith.addi %mul3A_221, %add3A_222 : i32
        %dma_start3A = arith.constant 2 : i32
        %dma_start3A_224 = arith.constant 0 : i32
        %dma_start3A_225 = arith.constant 0 : i32
        %dma_start3A_226 = arith.constant 0 : i32
        %dma_start3A_227 = tpu.memref_slice %arg8[%dma_start3A, %dma_start3A_224, %dma_start3A_225, %dma_start3A_226] : memref<3x2x200x64xf32, #tpu.memory_space<vmem>> -> memref<1x1x104x64xf32, #tpu.memory_space<vmem>>
        %dma_start3A_228 = tpu.memref_squeeze %dma_start3A_227 : memref<1x1x104x64xf32, #tpu.memory_space<vmem>> -> memref<104x64xf32, #tpu.memory_space<vmem>>
        %dma_start3A_229 = arith.constant 0 : i32
        %dma_start3A_230 = tpu.memref_slice %arg6[%add3A_211, %dma_start3A_229] : memref<32x200xi32, #tpu.memory_space<vmem>> -> memref<1x104xi32, #tpu.memory_space<vmem>>
        %dma_start3A_231 = tpu.memref_squeeze %dma_start3A_230 : memref<1x104xi32, #tpu.memory_space<vmem>> -> memref<104xi32, #tpu.memory_space<vmem>>
        %dma_start3A_232 = arith.constant 0 : i32
        %dma_start3A_233 = arith.constant 0 : i32
        %dma_start3A_234 = tpu.memref_slice %arg3[%dma_start3A_232, %dma_start3A_233] : memref<1000000x64xf32, #tpu.memory_space<hbm>> -> memref<1000000x64xf32, #tpu.memory_space<hbm>>
        tpu.enqueue_indirect_dma source(%dma_start3A_234 : memref<1000000x64xf32, #tpu.memory_space<hbm>>) target(%dma_start3A_228 : memref<104x64xf32, #tpu.memory_space<vmem>>) offsets(%dma_start3A_231 : memref<104xi32, #tpu.memory_space<vmem>>) semaphore(%arg14 : memref<!tpu.dma_semaphore, #tpu.memory_space<semaphore_mem>>) {add = true}
        %dma_start3A_235 = arith.constant 2 : i32
        %dma_start3A_236 = arith.constant 0 : i32
        %dma_start3A_237 = arith.constant 104 : i32
        %dma_start3A_238 = arith.constant 0 : i32
        %dma_start3A_239 = tpu.memref_slice %arg8[%dma_start3A_235, %dma_start3A_236, %dma_start3A_237, %dma_start3A_238] : memref<3x2x200x64xf32, #tpu.memory_space<vmem>> -> memref<1x1x96x64xf32, #tpu.memory_space<vmem>>
        %dma_start3A_240 = tpu.memref_squeeze %dma_start3A_239 : memref<1x1x96x64xf32, #tpu.memory_space<vmem>> -> memref<96x64xf32, #tpu.memory_space<vmem>>
        %dma_start3A_241 = arith.constant 104 : i32
        %dma_start3A_242 = tpu.memref_slice %arg6[%add3A_215, %dma_start3A_241] : memref<32x200xi32, #tpu.memory_space<vmem>> -> memref<1x96xi32, #tpu.memory_space<vmem>>
        %dma_start3A_243 = tpu.memref_squeeze %dma_start3A_242 : memref<1x96xi32, #tpu.memory_space<vmem>> -> memref<96xi32, #tpu.memory_space<vmem>>
        %dma_start3A_244 = arith.constant 0 : i32
        %dma_start3A_245 = arith.constant 0 : i32
        %dma_start3A_246 = tpu.memref_slice %arg3[%dma_start3A_244, %dma_start3A_245] : memref<1000000x64xf32, #tpu.memory_space<hbm>> -> memref<1000000x64xf32, #tpu.memory_space<hbm>>
        tpu.enqueue_indirect_dma source(%dma_start3A_246 : memref<1000000x64xf32, #tpu.memory_space<hbm>>) target(%dma_start3A_240 : memref<96x64xf32, #tpu.memory_space<vmem>>) offsets(%dma_start3A_243 : memref<96xi32, #tpu.memory_space<vmem>>) semaphore(%arg14 : memref<!tpu.dma_semaphore, #tpu.memory_space<semaphore_mem>>) {add = true}
        %dma_start3A_247 = arith.constant 2 : i32
        %dma_start3A_248 = arith.constant 1 : i32
        %dma_start3A_249 = arith.constant 0 : i32
        %dma_start3A_250 = arith.constant 0 : i32
        %dma_start3A_251 = tpu.memref_slice %arg8[%dma_start3A_247, %dma_start3A_248, %dma_start3A_249, %dma_start3A_250] : memref<3x2x200x64xf32, #tpu.memory_space<vmem>> -> memref<1x1x104x64xf32, #tpu.memory_space<vmem>>
        %dma_start3A_252 = tpu.memref_squeeze %dma_start3A_251 : memref<1x1x104x64xf32, #tpu.memory_space<vmem>> -> memref<104x64xf32, #tpu.memory_space<vmem>>
        %dma_start3A_253 = arith.constant 0 : i32
        %dma_start3A_254 = tpu.memref_slice %arg6[%add3A_219, %dma_start3A_253] : memref<32x200xi32, #tpu.memory_space<vmem>> -> memref<1x104xi32, #tpu.memory_space<vmem>>
        %dma_start3A_255 = tpu.memref_squeeze %dma_start3A_254 : memref<1x104xi32, #tpu.memory_space<vmem>> -> memref<104xi32, #tpu.memory_space<vmem>>
        %dma_start3A_256 = arith.constant 0 : i32
        %dma_start3A_257 = arith.constant 0 : i32
        %dma_start3A_258 = tpu.memref_slice %arg3[%dma_start3A_256, %dma_start3A_257] : memref<1000000x64xf32, #tpu.memory_space<hbm>> -> memref<1000000x64xf32, #tpu.memory_space<hbm>>
        tpu.enqueue_indirect_dma source(%dma_start3A_258 : memref<1000000x64xf32, #tpu.memory_space<hbm>>) target(%dma_start3A_252 : memref<104x64xf32, #tpu.memory_space<vmem>>) offsets(%dma_start3A_255 : memref<104xi32, #tpu.memory_space<vmem>>) semaphore(%arg14 : memref<!tpu.dma_semaphore, #tpu.memory_space<semaphore_mem>>) {add = true}
        %dma_start3A_259 = arith.constant 2 : i32
        %dma_start3A_260 = arith.constant 1 : i32
        %dma_start3A_261 = arith.constant 104 : i32
        %dma_start3A_262 = arith.constant 0 : i32
        %dma_start3A_263 = tpu.memref_slice %arg8[%dma_start3A_259, %dma_start3A_260, %dma_start3A_261, %dma_start3A_262] : memref<3x2x200x64xf32, #tpu.memory_space<vmem>> -> memref<1x1x96x64xf32, #tpu.memory_space<vmem>>
        %dma_start3A_264 = tpu.memref_squeeze %dma_start3A_263 : memref<1x1x96x64xf32, #tpu.memory_space<vmem>> -> memref<96x64xf32, #tpu.memory_space<vmem>>
        %dma_start3A_265 = arith.constant 104 : i32
        %dma_start3A_266 = tpu.memref_slice %arg6[%add3A_223, %dma_start3A_265] : memref<32x200xi32, #tpu.memory_space<vmem>> -> memref<1x96xi32, #tpu.memory_space<vmem>>
        %dma_start3A_267 = tpu.memref_squeeze %dma_start3A_266 : memref<1x96xi32, #tpu.memory_space<vmem>> -> memref<96xi32, #tpu.memory_space<vmem>>
        %dma_start3A_268 = arith.constant 0 : i32
        %dma_start3A_269 = arith.constant 0 : i32
        %dma_start3A_270 = tpu.memref_slice %arg3[%dma_start3A_268, %dma_start3A_269] : memref<1000000x64xf32, #tpu.memory_space<hbm>> -> memref<1000000x64xf32, #tpu.memory_space<hbm>>
        tpu.enqueue_indirect_dma source(%dma_start3A_270 : memref<1000000x64xf32, #tpu.memory_space<hbm>>) target(%dma_start3A_264 : memref<96x64xf32, #tpu.memory_space<vmem>>) offsets(%dma_start3A_267 : memref<96xi32, #tpu.memory_space<vmem>>) semaphore(%arg14 : memref<!tpu.dma_semaphore, #tpu.memory_space<semaphore_mem>>) {add = true}
      } else {
      }
      %sub3A_92 = arith.constant 2 : i32
      %sub3A_93 = arith.subi %add3A_70, %sub3A_92 : i32
      %ge3A_94 = arith.constant 0 : i32
      %ge3A_95 = arith.cmpi sge, %sub3A_93, %ge3A_94 : i32
      %sub3A_96 = arith.constant 2 : i32
      %sub3A_97 = arith.subi %add3A_70, %sub3A_96 : i32
      %lt3A_98 = arith.constant 16 : i32
      %lt3A_99 = arith.cmpi slt, %sub3A_97, %lt3A_98 : i32
      %and3A_100 = arith.andi %ge3A_95, %lt3A_99 : i1
      %convert_element_type3A_101 = arith.extui %and3A_100 : i1 to i32
      %cond3A_102 = arith.constant 0 : i32
      %cond3A_103 = arith.cmpi ne, %convert_element_type3A_101, %cond3A_102 : i32
      scf.if %cond3A_103 {
        %sub3A_186 = arith.constant 2 : i32
        %sub3A_187 = arith.subi %add3A_70, %sub3A_186 : i32
        %mul3A_188 = arith.constant 2 : i32
        %mul3A_189 = arith.muli %sub3A_187, %mul3A_188 : i32
        %add3A_190 = arith.constant 0 : i32
        %add3A_191 = arith.addi %mul3A_189, %add3A_190 : i32
        %mul3A_192 = arith.constant 2 : i32
        %mul3A_193 = arith.muli %sub3A_187, %mul3A_192 : i32
        %add3A_194 = arith.constant 0 : i32
        %add3A_195 = arith.addi %mul3A_193, %add3A_194 : i32
        %mul3A_196 = arith.constant 2 : i32
        %mul3A_197 = arith.muli %sub3A_187, %mul3A_196 : i32
        %add3A_198 = arith.constant 1 : i32
        %add3A_199 = arith.addi %mul3A_197, %add3A_198 : i32
        %mul3A_200 = arith.constant 2 : i32
        %mul3A_201 = arith.muli %sub3A_187, %mul3A_200 : i32
        %add3A_202 = arith.constant 1 : i32
        %add3A_203 = arith.addi %mul3A_201, %add3A_202 : i32
        %dma_wait3A_204 = arith.constant 1 : i32
        %dma_wait3A_205 = arith.constant 0 : i32
        %dma_wait3A_206 = arith.constant 0 : i32
        %dma_wait3A_207 = arith.constant 0 : i32
        %dma_wait3A_208 = tpu.memref_slice %arg8[%dma_wait3A_204, %dma_wait3A_205, %dma_wait3A_206, %dma_wait3A_207] : memref<3x2x200x64xf32, #tpu.memory_space<vmem>> -> memref<1x1x104x64xf32, #tpu.memory_space<vmem>>
        %dma_wait3A_209 = tpu.memref_squeeze %dma_wait3A_208 : memref<1x1x104x64xf32, #tpu.memory_space<vmem>> -> memref<104x64xf32, #tpu.memory_space<vmem>>
        %dma_wait3A_210 = arith.constant 0 : i32
        %dma_wait3A_211 = tpu.memref_slice %arg6[%add3A_191, %dma_wait3A_210] : memref<32x200xi32, #tpu.memory_space<vmem>> -> memref<1x104xi32, #tpu.memory_space<vmem>>
        %dma_wait3A_212 = tpu.memref_squeeze %dma_wait3A_211 : memref<1x104xi32, #tpu.memory_space<vmem>> -> memref<104xi32, #tpu.memory_space<vmem>>
        %dma_wait3A_213 = arith.constant 0 : i32
        %dma_wait3A_214 = arith.constant 0 : i32
        %dma_wait3A_215 = tpu.memref_slice %arg3[%dma_wait3A_213, %dma_wait3A_214] : memref<1000000x64xf32, #tpu.memory_space<hbm>> -> memref<1000000x64xf32, #tpu.memory_space<hbm>>
        tpu.wait_indirect_dma semaphore(%arg13 : memref<!tpu.dma_semaphore, #tpu.memory_space<semaphore_mem>>) src(%dma_wait3A_215 : memref<1000000x64xf32, #tpu.memory_space<hbm>>) dst(%dma_wait3A_209 : memref<104x64xf32, #tpu.memory_space<vmem>>)
        %dma_wait3A_216 = arith.constant 1 : i32
        %dma_wait3A_217 = arith.constant 0 : i32
        %dma_wait3A_218 = arith.constant 104 : i32
        %dma_wait3A_219 = arith.constant 0 : i32
        %dma_wait3A_220 = tpu.memref_slice %arg8[%dma_wait3A_216, %dma_wait3A_217, %dma_wait3A_218, %dma_wait3A_219] : memref<3x2x200x64xf32, #tpu.memory_space<vmem>> -> memref<1x1x96x64xf32, #tpu.memory_space<vmem>>
        %dma_wait3A_221 = tpu.memref_squeeze %dma_wait3A_220 : memref<1x1x96x64xf32, #tpu.memory_space<vmem>> -> memref<96x64xf32, #tpu.memory_space<vmem>>
        %dma_wait3A_222 = arith.constant 104 : i32
        %dma_wait3A_223 = tpu.memref_slice %arg6[%add3A_195, %dma_wait3A_222] : memref<32x200xi32, #tpu.memory_space<vmem>> -> memref<1x96xi32, #tpu.memory_space<vmem>>
        %dma_wait3A_224 = tpu.memref_squeeze %dma_wait3A_223 : memref<1x96xi32, #tpu.memory_space<vmem>> -> memref<96xi32, #tpu.memory_space<vmem>>
        %dma_wait3A_225 = arith.constant 0 : i32
        %dma_wait3A_226 = arith.constant 0 : i32
        %dma_wait3A_227 = tpu.memref_slice %arg3[%dma_wait3A_225, %dma_wait3A_226] : memref<1000000x64xf32, #tpu.memory_space<hbm>> -> memref<1000000x64xf32, #tpu.memory_space<hbm>>
        tpu.wait_indirect_dma semaphore(%arg13 : memref<!tpu.dma_semaphore, #tpu.memory_space<semaphore_mem>>) src(%dma_wait3A_227 : memref<1000000x64xf32, #tpu.memory_space<hbm>>) dst(%dma_wait3A_221 : memref<96x64xf32, #tpu.memory_space<vmem>>)
        %dma_wait3A_228 = arith.constant 1 : i32
        %dma_wait3A_229 = arith.constant 1 : i32
        %dma_wait3A_230 = arith.constant 0 : i32
        %dma_wait3A_231 = arith.constant 0 : i32
        %dma_wait3A_232 = tpu.memref_slice %arg8[%dma_wait3A_228, %dma_wait3A_229, %dma_wait3A_230, %dma_wait3A_231] : memref<3x2x200x64xf32, #tpu.memory_space<vmem>> -> memref<1x1x104x64xf32, #tpu.memory_space<vmem>>
        %dma_wait3A_233 = tpu.memref_squeeze %dma_wait3A_232 : memref<1x1x104x64xf32, #tpu.memory_space<vmem>> -> memref<104x64xf32, #tpu.memory_space<vmem>>
        %dma_wait3A_234 = arith.constant 0 : i32
        %dma_wait3A_235 = tpu.memref_slice %arg6[%add3A_199, %dma_wait3A_234] : memref<32x200xi32, #tpu.memory_space<vmem>> -> memref<1x104xi32, #tpu.memory_space<vmem>>
        %dma_wait3A_236 = tpu.memref_squeeze %dma_wait3A_235 : memref<1x104xi32, #tpu.memory_space<vmem>> -> memref<104xi32, #tpu.memory_space<vmem>>
        %dma_wait3A_237 = arith.constant 0 : i32
        %dma_wait3A_238 = arith.constant 0 : i32
        %dma_wait3A_239 = tpu.memref_slice %arg3[%dma_wait3A_237, %dma_wait3A_238] : memref<1000000x64xf32, #tpu.memory_space<hbm>> -> memref<1000000x64xf32, #tpu.memory_space<hbm>>
        tpu.wait_indirect_dma semaphore(%arg13 : memref<!tpu.dma_semaphore, #tpu.memory_space<semaphore_mem>>) src(%dma_wait3A_239 : memref<1000000x64xf32, #tpu.memory_space<hbm>>) dst(%dma_wait3A_233 : memref<104x64xf32, #tpu.memory_space<vmem>>)
        %dma_wait3A_240 = arith.constant 1 : i32
        %dma_wait3A_241 = arith.constant 1 : i32
        %dma_wait3A_242 = arith.constant 104 : i32
        %dma_wait3A_243 = arith.constant 0 : i32
        %dma_wait3A_244 = tpu.memref_slice %arg8[%dma_wait3A_240, %dma_wait3A_241, %dma_wait3A_242, %dma_wait3A_243] : memref<3x2x200x64xf32, #tpu.memory_space<vmem>> -> memref<1x1x96x64xf32, #tpu.memory_space<vmem>>
        %dma_wait3A_245 = tpu.memref_squeeze %dma_wait3A_244 : memref<1x1x96x64xf32, #tpu.memory_space<vmem>> -> memref<96x64xf32, #tpu.memory_space<vmem>>
        %dma_wait3A_246 = arith.constant 104 : i32
        %dma_wait3A_247 = tpu.memref_slice %arg6[%add3A_203, %dma_wait3A_246] : memref<32x200xi32, #tpu.memory_space<vmem>> -> memref<1x96xi32, #tpu.memory_space<vmem>>
        %dma_wait3A_248 = tpu.memref_squeeze %dma_wait3A_247 : memref<1x96xi32, #tpu.memory_space<vmem>> -> memref<96xi32, #tpu.memory_space<vmem>>
        %dma_wait3A_249 = arith.constant 0 : i32
        %dma_wait3A_250 = arith.constant 0 : i32
        %dma_wait3A_251 = tpu.memref_slice %arg3[%dma_wait3A_249, %dma_wait3A_250] : memref<1000000x64xf32, #tpu.memory_space<hbm>> -> memref<1000000x64xf32, #tpu.memory_space<hbm>>
        tpu.wait_indirect_dma semaphore(%arg13 : memref<!tpu.dma_semaphore, #tpu.memory_space<semaphore_mem>>) src(%dma_wait3A_251 : memref<1000000x64xf32, #tpu.memory_space<hbm>>) dst(%dma_wait3A_245 : memref<96x64xf32, #tpu.memory_space<vmem>>)
        %sub3A_252 = arith.constant 2 : i32
        %sub3A_253 = arith.subi %add3A_70, %sub3A_252 : i32
        %mul3A_254 = arith.constant 2 : i32
        %mul3A_255 = arith.muli %sub3A_253, %mul3A_254 : i32
        %add3A_256 = arith.addi %mul3A_2, %mul3A_255 : i32
        %dma_start3A = arith.constant 1 : i32
        %dma_start3A_257 = arith.constant 0 : i32
        %dma_start3A_258 = arith.constant 0 : i32
        %dma_start3A_259 = arith.constant 0 : i32
        %dma_start3A_260 = tpu.memref_slice %arg8[%dma_start3A, %dma_start3A_257, %dma_start3A_258, %dma_start3A_259] : memref<3x2x200x64xf32, #tpu.memory_space<vmem>> -> memref<1x2x200x64xf32, #tpu.memory_space<vmem>>
        %dma_start3A_261 = tpu.memref_squeeze %dma_start3A_260 : memref<1x2x200x64xf32, #tpu.memory_space<vmem>> -> memref<2x200x64xf32, #tpu.memory_space<vmem>>
        %dma_start3A_262 = arith.constant 0 : i32
        %dma_start3A_263 = arith.constant 0 : i32
        %dma_start3A_264 = tpu.memref_slice %arg5[%add3A_256, %dma_start3A_262, %dma_start3A_263] : memref<1024x200x64xf32, #tpu.memory_space<hbm>> -> memref<2x200x64xf32, #tpu.memory_space<hbm>>
        %dma_start3A_265 = arith.constant 0 : i32
        %dma_start3A_266 = arith.constant 0 : i32
        %dma_start3A_267 = tpu.memref_slice %arg5[%add3A_256, %dma_start3A_265, %dma_start3A_266] : memref<1024x200x64xf32, #tpu.memory_space<hbm>> -> memref<2x200x64xf32, #tpu.memory_space<hbm>>
        %dma_start3A_268 = arith.constant 0 : i32
        %dma_start3A_269 = arith.constant 0 : i32
        %dma_start3A_270 = arith.constant 0 : i32
        %dma_start3A_271 = tpu.memref_slice %arg8[%dma_start3A, %dma_start3A_268, %dma_start3A_269, %dma_start3A_270] : memref<3x2x200x64xf32, #tpu.memory_space<vmem>> -> memref<1x2x200x64xf32, #tpu.memory_space<vmem>>
        %dma_start3A_272 = tpu.memref_squeeze %dma_start3A_271 : memref<1x2x200x64xf32, #tpu.memory_space<vmem>> -> memref<2x200x64xf32, #tpu.memory_space<vmem>>
        tpu.enqueue_dma source(%dma_start3A_272 : memref<2x200x64xf32, #tpu.memory_space<vmem>>) target(%dma_start3A_267 : memref<2x200x64xf32, #tpu.memory_space<hbm>>) target_semaphore(%arg16 : memref<!tpu.dma_semaphore, #tpu.memory_space<semaphore_mem>>)
      } else {
      }
      %mul3A_104 = arith.constant 3 : i32
      %mul3A_105 = arith.muli %scan3A_66, %mul3A_104 : i32
      %add3A_106 = arith.constant 1 : i32
      %add3A_107 = arith.addi %mul3A_105, %add3A_106 : i32
      %ge3A_108 = arith.constant 3 : i32
      %ge3A_109 = arith.cmpi sge, %add3A_107, %ge3A_108 : i32
      %lt3A_110 = arith.constant 16 : i32
      %lt3A_111 = arith.cmpi slt, %add3A_107, %lt3A_110 : i32
      %and3A_112 = arith.andi %ge3A_109, %lt3A_111 : i1
      %convert_element_type3A_113 = arith.extui %and3A_112 : i1 to i32
      %cond3A_114 = arith.constant 0 : i32
      %cond3A_115 = arith.cmpi ne, %convert_element_type3A_113, %cond3A_114 : i32
      scf.if %cond3A_115 {
        %sub3A_186 = arith.constant 3 : i32
        %sub3A_187 = arith.subi %add3A_107, %sub3A_186 : i32
        %mul3A_188 = arith.constant 2 : i32
        %mul3A_189 = arith.muli %sub3A_187, %mul3A_188 : i32
        %add3A_190 = arith.addi %mul3A_2, %mul3A_189 : i32
        %dma_wait3A_191 = arith.constant 1 : i32
        %dma_wait3A_192 = arith.constant 0 : i32
        %dma_wait3A_193 = arith.constant 0 : i32
        %dma_wait3A_194 = arith.constant 0 : i32
        %dma_wait3A_195 = tpu.memref_slice %arg8[%dma_wait3A_191, %dma_wait3A_192, %dma_wait3A_193, %dma_wait3A_194] : memref<3x2x200x64xf32, #tpu.memory_space<vmem>> -> memref<1x2x200x64xf32, #tpu.memory_space<vmem>>
        %dma_wait3A_196 = tpu.memref_squeeze %dma_wait3A_195 : memref<1x2x200x64xf32, #tpu.memory_space<vmem>> -> memref<2x200x64xf32, #tpu.memory_space<vmem>>
        %dma_wait3A_197 = arith.constant 0 : i32
        %dma_wait3A_198 = arith.constant 0 : i32
        %dma_wait3A_199 = tpu.memref_slice %arg5[%add3A_190, %dma_wait3A_197, %dma_wait3A_198] : memref<1024x200x64xf32, #tpu.memory_space<hbm>> -> memref<2x200x64xf32, #tpu.memory_space<hbm>>
        %dma_wait3A_200 = arith.constant 0 : i32
        %dma_wait3A_201 = arith.constant 0 : i32
        %dma_wait3A_202 = tpu.memref_slice %arg5[%add3A_190, %dma_wait3A_200, %dma_wait3A_201] : memref<1024x200x64xf32, #tpu.memory_space<hbm>> -> memref<2x200x64xf32, #tpu.memory_space<hbm>>
        %dma_wait3A_203 = arith.constant 0 : i32
        %dma_wait3A_204 = arith.constant 0 : i32
        %dma_wait3A_205 = arith.constant 0 : i32
        %dma_wait3A_206 = tpu.memref_slice %arg8[%dma_wait3A_191, %dma_wait3A_203, %dma_wait3A_204, %dma_wait3A_205] : memref<3x2x200x64xf32, #tpu.memory_space<vmem>> -> memref<1x2x200x64xf32, #tpu.memory_space<vmem>>
        %dma_wait3A_207 = tpu.memref_squeeze %dma_wait3A_206 : memref<1x2x200x64xf32, #tpu.memory_space<vmem>> -> memref<2x200x64xf32, #tpu.memory_space<vmem>>
        tpu.wait_dma2 semaphore(%arg16 : memref<!tpu.dma_semaphore, #tpu.memory_space<semaphore_mem>>) src(%dma_wait3A_207 : memref<2x200x64xf32, #tpu.memory_space<vmem>>) dst(%dma_wait3A_202 : memref<2x200x64xf32, #tpu.memory_space<hbm>>)
      } else {
      }
      %lt3A_116 = arith.constant 16 : i32
      %lt3A_117 = arith.cmpi slt, %add3A_107, %lt3A_116 : i32
      %convert_element_type3A_118 = arith.extui %lt3A_117 : i1 to i32
      %cond3A_119 = arith.constant 0 : i32
      %cond3A_120 = arith.cmpi ne, %convert_element_type3A_118, %cond3A_119 : i32
      scf.if %cond3A_120 {
        %dma_start3A = arith.constant 1 : i32
        %dma_start3A_186 = arith.constant 0 : i32
        %dma_start3A_187 = arith.constant 0 : i32
        %dma_start3A_188 = arith.constant 0 : i32
        %dma_start3A_189 = tpu.memref_slice %arg8[%dma_start3A, %dma_start3A_186, %dma_start3A_187, %dma_start3A_188] : memref<3x2x200x64xf32, #tpu.memory_space<vmem>> -> memref<1x1x200x64xf32, #tpu.memory_space<vmem>>
        %dma_start3A_190 = tpu.memref_squeeze %dma_start3A_189 : memref<1x1x200x64xf32, #tpu.memory_space<vmem>> -> memref<200x64xf32, #tpu.memory_space<vmem>>
        %dma_start3A_191 = arith.constant 0 : i32
        %dma_start3A_192 = arith.constant 0 : i32
        %dma_start3A_193 = tpu.memref_slice %arg8[%dma_start3A, %dma_start3A_186, %dma_start3A_191, %dma_start3A_192] : memref<3x2x200x64xf32, #tpu.memory_space<vmem>> -> memref<1x1x200x64xf32, #tpu.memory_space<vmem>>
        %dma_start3A_194 = tpu.memref_squeeze %dma_start3A_193 : memref<1x1x200x64xf32, #tpu.memory_space<vmem>> -> memref<200x64xf32, #tpu.memory_space<vmem>>
        tpu.enqueue_dma source(%arg7 : memref<200x64xf32, #tpu.memory_space<vmem_shared>>) target(%dma_start3A_194 : memref<200x64xf32, #tpu.memory_space<vmem>>) target_semaphore(%arg10 : memref<!tpu.dma_semaphore, #tpu.memory_space<semaphore_mem>>)
        %dma_start3A_195 = arith.constant 1 : i32
        %dma_start3A_196 = arith.constant 1 : i32
        %dma_start3A_197 = arith.constant 0 : i32
        %dma_start3A_198 = arith.constant 0 : i32
        %dma_start3A_199 = tpu.memref_slice %arg8[%dma_start3A_195, %dma_start3A_196, %dma_start3A_197, %dma_start3A_198] : memref<3x2x200x64xf32, #tpu.memory_space<vmem>> -> memref<1x1x200x64xf32, #tpu.memory_space<vmem>>
        %dma_start3A_200 = tpu.memref_squeeze %dma_start3A_199 : memref<1x1x200x64xf32, #tpu.memory_space<vmem>> -> memref<200x64xf32, #tpu.memory_space<vmem>>
        %dma_start3A_201 = arith.constant 0 : i32
        %dma_start3A_202 = arith.constant 0 : i32
        %dma_start3A_203 = tpu.memref_slice %arg8[%dma_start3A_195, %dma_start3A_196, %dma_start3A_201, %dma_start3A_202] : memref<3x2x200x64xf32, #tpu.memory_space<vmem>> -> memref<1x1x200x64xf32, #tpu.memory_space<vmem>>
        %dma_start3A_204 = tpu.memref_squeeze %dma_start3A_203 : memref<1x1x200x64xf32, #tpu.memory_space<vmem>> -> memref<200x64xf32, #tpu.memory_space<vmem>>
        tpu.enqueue_dma source(%arg7 : memref<200x64xf32, #tpu.memory_space<vmem_shared>>) target(%dma_start3A_204 : memref<200x64xf32, #tpu.memory_space<vmem>>) target_semaphore(%arg10 : memref<!tpu.dma_semaphore, #tpu.memory_space<semaphore_mem>>)
      } else {
      }
      %sub3A_121 = arith.constant 1 : i32
      %sub3A_122 = arith.subi %add3A_107, %sub3A_121 : i32
      %ge3A_123 = arith.constant 0 : i32
      %ge3A_124 = arith.cmpi sge, %sub3A_122, %ge3A_123 : i32
      %sub3A_125 = arith.constant 1 : i32
      %sub3A_126 = arith.subi %add3A_107, %sub3A_125 : i32
      %lt3A_127 = arith.constant 16 : i32
      %lt3A_128 = arith.cmpi slt, %sub3A_126, %lt3A_127 : i32
      %and3A_129 = arith.andi %ge3A_124, %lt3A_128 : i1
      %convert_element_type3A_130 = arith.extui %and3A_129 : i1 to i32
      %cond3A_131 = arith.constant 0 : i32
      %cond3A_132 = arith.cmpi ne, %convert_element_type3A_130, %cond3A_131 : i32
      scf.if %cond3A_132 {
        %dma_wait3A_186 = arith.constant 0 : i32
        %dma_wait3A_187 = arith.constant 0 : i32
        %dma_wait3A_188 = arith.constant 0 : i32
        %dma_wait3A_189 = arith.constant 0 : i32
        %dma_wait3A_190 = tpu.memref_slice %arg8[%dma_wait3A_186, %dma_wait3A_187, %dma_wait3A_188, %dma_wait3A_189] : memref<3x2x200x64xf32, #tpu.memory_space<vmem>> -> memref<1x1x200x64xf32, #tpu.memory_space<vmem>>
        %dma_wait3A_191 = tpu.memref_squeeze %dma_wait3A_190 : memref<1x1x200x64xf32, #tpu.memory_space<vmem>> -> memref<200x64xf32, #tpu.memory_space<vmem>>
        %dma_wait3A_192 = arith.constant 0 : i32
        %dma_wait3A_193 = arith.constant 0 : i32
        %dma_wait3A_194 = tpu.memref_slice %arg8[%dma_wait3A_186, %dma_wait3A_187, %dma_wait3A_192, %dma_wait3A_193] : memref<3x2x200x64xf32, #tpu.memory_space<vmem>> -> memref<1x1x200x64xf32, #tpu.memory_space<vmem>>
        %dma_wait3A_195 = tpu.memref_squeeze %dma_wait3A_194 : memref<1x1x200x64xf32, #tpu.memory_space<vmem>> -> memref<200x64xf32, #tpu.memory_space<vmem>>
        tpu.wait_dma2 semaphore(%arg9 : memref<!tpu.dma_semaphore, #tpu.memory_space<semaphore_mem>>) src(%arg7 : memref<200x64xf32, #tpu.memory_space<vmem_shared>>) dst(%dma_wait3A_195 : memref<200x64xf32, #tpu.memory_space<vmem>>)
        %dma_wait3A_196 = arith.constant 0 : i32
        %dma_wait3A_197 = arith.constant 1 : i32
        %dma_wait3A_198 = arith.constant 0 : i32
        %dma_wait3A_199 = arith.constant 0 : i32
        %dma_wait3A_200 = tpu.memref_slice %arg8[%dma_wait3A_196, %dma_wait3A_197, %dma_wait3A_198, %dma_wait3A_199] : memref<3x2x200x64xf32, #tpu.memory_space<vmem>> -> memref<1x1x200x64xf32, #tpu.memory_space<vmem>>
        %dma_wait3A_201 = tpu.memref_squeeze %dma_wait3A_200 : memref<1x1x200x64xf32, #tpu.memory_space<vmem>> -> memref<200x64xf32, #tpu.memory_space<vmem>>
        %dma_wait3A_202 = arith.constant 0 : i32
        %dma_wait3A_203 = arith.constant 0 : i32
        %dma_wait3A_204 = tpu.memref_slice %arg8[%dma_wait3A_196, %dma_wait3A_197, %dma_wait3A_202, %dma_wait3A_203] : memref<3x2x200x64xf32, #tpu.memory_space<vmem>> -> memref<1x1x200x64xf32, #tpu.memory_space<vmem>>
        %dma_wait3A_205 = tpu.memref_squeeze %dma_wait3A_204 : memref<1x1x200x64xf32, #tpu.memory_space<vmem>> -> memref<200x64xf32, #tpu.memory_space<vmem>>
        tpu.wait_dma2 semaphore(%arg9 : memref<!tpu.dma_semaphore, #tpu.memory_space<semaphore_mem>>) src(%arg7 : memref<200x64xf32, #tpu.memory_space<vmem_shared>>) dst(%dma_wait3A_205 : memref<200x64xf32, #tpu.memory_space<vmem>>)
        %sub3A_206 = arith.constant 1 : i32
        %sub3A_207 = arith.subi %add3A_107, %sub3A_206 : i32
        %mul3A_208 = arith.constant 2 : i32
        %mul3A_209 = arith.muli %sub3A_207, %mul3A_208 : i32
        %add3A_210 = arith.constant 0 : i32
        %add3A_211 = arith.addi %mul3A_209, %add3A_210 : i32
        %mul3A_212 = arith.constant 2 : i32
        %mul3A_213 = arith.muli %sub3A_207, %mul3A_212 : i32
        %add3A_214 = arith.constant 0 : i32
        %add3A_215 = arith.addi %mul3A_213, %add3A_214 : i32
        %mul3A_216 = arith.constant 2 : i32
        %mul3A_217 = arith.muli %sub3A_207, %mul3A_216 : i32
        %add3A_218 = arith.constant 1 : i32
        %add3A_219 = arith.addi %mul3A_217, %add3A_218 : i32
        %mul3A_220 = arith.constant 2 : i32
        %mul3A_221 = arith.muli %sub3A_207, %mul3A_220 : i32
        %add3A_222 = arith.constant 1 : i32
        %add3A_223 = arith.addi %mul3A_221, %add3A_222 : i32
        %dma_start3A = arith.constant 0 : i32
        %dma_start3A_224 = arith.constant 0 : i32
        %dma_start3A_225 = arith.constant 0 : i32
        %dma_start3A_226 = arith.constant 0 : i32
        %dma_start3A_227 = tpu.memref_slice %arg8[%dma_start3A, %dma_start3A_224, %dma_start3A_225, %dma_start3A_226] : memref<3x2x200x64xf32, #tpu.memory_space<vmem>> -> memref<1x1x104x64xf32, #tpu.memory_space<vmem>>
        %dma_start3A_228 = tpu.memref_squeeze %dma_start3A_227 : memref<1x1x104x64xf32, #tpu.memory_space<vmem>> -> memref<104x64xf32, #tpu.memory_space<vmem>>
        %dma_start3A_229 = arith.constant 0 : i32
        %dma_start3A_230 = tpu.memref_slice %arg6[%add3A_211, %dma_start3A_229] : memref<32x200xi32, #tpu.memory_space<vmem>> -> memref<1x104xi32, #tpu.memory_space<vmem>>
        %dma_start3A_231 = tpu.memref_squeeze %dma_start3A_230 : memref<1x104xi32, #tpu.memory_space<vmem>> -> memref<104xi32, #tpu.memory_space<vmem>>
        %dma_start3A_232 = arith.constant 0 : i32
        %dma_start3A_233 = arith.constant 0 : i32
        %dma_start3A_234 = tpu.memref_slice %arg3[%dma_start3A_232, %dma_start3A_233] : memref<1000000x64xf32, #tpu.memory_space<hbm>> -> memref<1000000x64xf32, #tpu.memory_space<hbm>>
        tpu.enqueue_indirect_dma source(%dma_start3A_234 : memref<1000000x64xf32, #tpu.memory_space<hbm>>) target(%dma_start3A_228 : memref<104x64xf32, #tpu.memory_space<vmem>>) offsets(%dma_start3A_231 : memref<104xi32, #tpu.memory_space<vmem>>) semaphore(%arg12 : memref<!tpu.dma_semaphore, #tpu.memory_space<semaphore_mem>>) {add = true}
        %dma_start3A_235 = arith.constant 0 : i32
        %dma_start3A_236 = arith.constant 0 : i32
        %dma_start3A_237 = arith.constant 104 : i32
        %dma_start3A_238 = arith.constant 0 : i32
        %dma_start3A_239 = tpu.memref_slice %arg8[%dma_start3A_235, %dma_start3A_236, %dma_start3A_237, %dma_start3A_238] : memref<3x2x200x64xf32, #tpu.memory_space<vmem>> -> memref<1x1x96x64xf32, #tpu.memory_space<vmem>>
        %dma_start3A_240 = tpu.memref_squeeze %dma_start3A_239 : memref<1x1x96x64xf32, #tpu.memory_space<vmem>> -> memref<96x64xf32, #tpu.memory_space<vmem>>
        %dma_start3A_241 = arith.constant 104 : i32
        %dma_start3A_242 = tpu.memref_slice %arg6[%add3A_215, %dma_start3A_241] : memref<32x200xi32, #tpu.memory_space<vmem>> -> memref<1x96xi32, #tpu.memory_space<vmem>>
        %dma_start3A_243 = tpu.memref_squeeze %dma_start3A_242 : memref<1x96xi32, #tpu.memory_space<vmem>> -> memref<96xi32, #tpu.memory_space<vmem>>
        %dma_start3A_244 = arith.constant 0 : i32
        %dma_start3A_245 = arith.constant 0 : i32
        %dma_start3A_246 = tpu.memref_slice %arg3[%dma_start3A_244, %dma_start3A_245] : memref<1000000x64xf32, #tpu.memory_space<hbm>> -> memref<1000000x64xf32, #tpu.memory_space<hbm>>
        tpu.enqueue_indirect_dma source(%dma_start3A_246 : memref<1000000x64xf32, #tpu.memory_space<hbm>>) target(%dma_start3A_240 : memref<96x64xf32, #tpu.memory_space<vmem>>) offsets(%dma_start3A_243 : memref<96xi32, #tpu.memory_space<vmem>>) semaphore(%arg12 : memref<!tpu.dma_semaphore, #tpu.memory_space<semaphore_mem>>) {add = true}
        %dma_start3A_247 = arith.constant 0 : i32
        %dma_start3A_248 = arith.constant 1 : i32
        %dma_start3A_249 = arith.constant 0 : i32
        %dma_start3A_250 = arith.constant 0 : i32
        %dma_start3A_251 = tpu.memref_slice %arg8[%dma_start3A_247, %dma_start3A_248, %dma_start3A_249, %dma_start3A_250] : memref<3x2x200x64xf32, #tpu.memory_space<vmem>> -> memref<1x1x104x64xf32, #tpu.memory_space<vmem>>
        %dma_start3A_252 = tpu.memref_squeeze %dma_start3A_251 : memref<1x1x104x64xf32, #tpu.memory_space<vmem>> -> memref<104x64xf32, #tpu.memory_space<vmem>>
        %dma_start3A_253 = arith.constant 0 : i32
        %dma_start3A_254 = tpu.memref_slice %arg6[%add3A_219, %dma_start3A_253] : memref<32x200xi32, #tpu.memory_space<vmem>> -> memref<1x104xi32, #tpu.memory_space<vmem>>
        %dma_start3A_255 = tpu.memref_squeeze %dma_start3A_254 : memref<1x104xi32, #tpu.memory_space<vmem>> -> memref<104xi32, #tpu.memory_space<vmem>>
        %dma_start3A_256 = arith.constant 0 : i32
        %dma_start3A_257 = arith.constant 0 : i32
        %dma_start3A_258 = tpu.memref_slice %arg3[%dma_start3A_256, %dma_start3A_257] : memref<1000000x64xf32, #tpu.memory_space<hbm>> -> memref<1000000x64xf32, #tpu.memory_space<hbm>>
        tpu.enqueue_indirect_dma source(%dma_start3A_258 : memref<1000000x64xf32, #tpu.memory_space<hbm>>) target(%dma_start3A_252 : memref<104x64xf32, #tpu.memory_space<vmem>>) offsets(%dma_start3A_255 : memref<104xi32, #tpu.memory_space<vmem>>) semaphore(%arg12 : memref<!tpu.dma_semaphore, #tpu.memory_space<semaphore_mem>>) {add = true}
        %dma_start3A_259 = arith.constant 0 : i32
        %dma_start3A_260 = arith.constant 1 : i32
        %dma_start3A_261 = arith.constant 104 : i32
        %dma_start3A_262 = arith.constant 0 : i32
        %dma_start3A_263 = tpu.memref_slice %arg8[%dma_start3A_259, %dma_start3A_260, %dma_start3A_261, %dma_start3A_262] : memref<3x2x200x64xf32, #tpu.memory_space<vmem>> -> memref<1x1x96x64xf32, #tpu.memory_space<vmem>>
        %dma_start3A_264 = tpu.memref_squeeze %dma_start3A_263 : memref<1x1x96x64xf32, #tpu.memory_space<vmem>> -> memref<96x64xf32, #tpu.memory_space<vmem>>
        %dma_start3A_265 = arith.constant 104 : i32
        %dma_start3A_266 = tpu.memref_slice %arg6[%add3A_223, %dma_start3A_265] : memref<32x200xi32, #tpu.memory_space<vmem>> -> memref<1x96xi32, #tpu.memory_space<vmem>>
        %dma_start3A_267 = tpu.memref_squeeze %dma_start3A_266 : memref<1x96xi32, #tpu.memory_space<vmem>> -> memref<96xi32, #tpu.memory_space<vmem>>
        %dma_start3A_268 = arith.constant 0 : i32
        %dma_start3A_269 = arith.constant 0 : i32
        %dma_start3A_270 = tpu.memref_slice %arg3[%dma_start3A_268, %dma_start3A_269] : memref<1000000x64xf32, #tpu.memory_space<hbm>> -> memref<1000000x64xf32, #tpu.memory_space<hbm>>
        tpu.enqueue_indirect_dma source(%dma_start3A_270 : memref<1000000x64xf32, #tpu.memory_space<hbm>>) target(%dma_start3A_264 : memref<96x64xf32, #tpu.memory_space<vmem>>) offsets(%dma_start3A_267 : memref<96xi32, #tpu.memory_space<vmem>>) semaphore(%arg12 : memref<!tpu.dma_semaphore, #tpu.memory_space<semaphore_mem>>) {add = true}
      } else {
      }
      %sub3A_133 = arith.constant 2 : i32
      %sub3A_134 = arith.subi %add3A_107, %sub3A_133 : i32
      %ge3A_135 = arith.constant 0 : i32
      %ge3A_136 = arith.cmpi sge, %sub3A_134, %ge3A_135 : i32
      %sub3A_137 = arith.constant 2 : i32
      %sub3A_138 = arith.subi %add3A_107, %sub3A_137 : i32
      %lt3A_139 = arith.constant 16 : i32
      %lt3A_140 = arith.cmpi slt, %sub3A_138, %lt3A_139 : i32
      %and3A_141 = arith.andi %ge3A_136, %lt3A_140 : i1
      %convert_element_type3A_142 = arith.extui %and3A_141 : i1 to i32
      %cond3A_143 = arith.constant 0 : i32
      %cond3A_144 = arith.cmpi ne, %convert_element_type3A_142, %cond3A_143 : i32
      scf.if %cond3A_144 {
        %sub3A_186 = arith.constant 2 : i32
        %sub3A_187 = arith.subi %add3A_107, %sub3A_186 : i32
        %mul3A_188 = arith.constant 2 : i32
        %mul3A_189 = arith.muli %sub3A_187, %mul3A_188 : i32
        %add3A_190 = arith.constant 0 : i32
        %add3A_191 = arith.addi %mul3A_189, %add3A_190 : i32
        %mul3A_192 = arith.constant 2 : i32
        %mul3A_193 = arith.muli %sub3A_187, %mul3A_192 : i32
        %add3A_194 = arith.constant 0 : i32
        %add3A_195 = arith.addi %mul3A_193, %add3A_194 : i32
        %mul3A_196 = arith.constant 2 : i32
        %mul3A_197 = arith.muli %sub3A_187, %mul3A_196 : i32
        %add3A_198 = arith.constant 1 : i32
        %add3A_199 = arith.addi %mul3A_197, %add3A_198 : i32
        %mul3A_200 = arith.constant 2 : i32
        %mul3A_201 = arith.muli %sub3A_187, %mul3A_200 : i32
        %add3A_202 = arith.constant 1 : i32
        %add3A_203 = arith.addi %mul3A_201, %add3A_202 : i32
        %dma_wait3A_204 = arith.constant 2 : i32
        %dma_wait3A_205 = arith.constant 0 : i32
        %dma_wait3A_206 = arith.constant 0 : i32
        %dma_wait3A_207 = arith.constant 0 : i32
        %dma_wait3A_208 = tpu.memref_slice %arg8[%dma_wait3A_204, %dma_wait3A_205, %dma_wait3A_206, %dma_wait3A_207] : memref<3x2x200x64xf32, #tpu.memory_space<vmem>> -> memref<1x1x104x64xf32, #tpu.memory_space<vmem>>
        %dma_wait3A_209 = tpu.memref_squeeze %dma_wait3A_208 : memref<1x1x104x64xf32, #tpu.memory_space<vmem>> -> memref<104x64xf32, #tpu.memory_space<vmem>>
        %dma_wait3A_210 = arith.constant 0 : i32
        %dma_wait3A_211 = tpu.memref_slice %arg6[%add3A_191, %dma_wait3A_210] : memref<32x200xi32, #tpu.memory_space<vmem>> -> memref<1x104xi32, #tpu.memory_space<vmem>>
        %dma_wait3A_212 = tpu.memref_squeeze %dma_wait3A_211 : memref<1x104xi32, #tpu.memory_space<vmem>> -> memref<104xi32, #tpu.memory_space<vmem>>
        %dma_wait3A_213 = arith.constant 0 : i32
        %dma_wait3A_214 = arith.constant 0 : i32
        %dma_wait3A_215 = tpu.memref_slice %arg3[%dma_wait3A_213, %dma_wait3A_214] : memref<1000000x64xf32, #tpu.memory_space<hbm>> -> memref<1000000x64xf32, #tpu.memory_space<hbm>>
        tpu.wait_indirect_dma semaphore(%arg14 : memref<!tpu.dma_semaphore, #tpu.memory_space<semaphore_mem>>) src(%dma_wait3A_215 : memref<1000000x64xf32, #tpu.memory_space<hbm>>) dst(%dma_wait3A_209 : memref<104x64xf32, #tpu.memory_space<vmem>>)
        %dma_wait3A_216 = arith.constant 2 : i32
        %dma_wait3A_217 = arith.constant 0 : i32
        %dma_wait3A_218 = arith.constant 104 : i32
        %dma_wait3A_219 = arith.constant 0 : i32
        %dma_wait3A_220 = tpu.memref_slice %arg8[%dma_wait3A_216, %dma_wait3A_217, %dma_wait3A_218, %dma_wait3A_219] : memref<3x2x200x64xf32, #tpu.memory_space<vmem>> -> memref<1x1x96x64xf32, #tpu.memory_space<vmem>>
        %dma_wait3A_221 = tpu.memref_squeeze %dma_wait3A_220 : memref<1x1x96x64xf32, #tpu.memory_space<vmem>> -> memref<96x64xf32, #tpu.memory_space<vmem>>
        %dma_wait3A_222 = arith.constant 104 : i32
        %dma_wait3A_223 = tpu.memref_slice %arg6[%add3A_195, %dma_wait3A_222] : memref<32x200xi32, #tpu.memory_space<vmem>> -> memref<1x96xi32, #tpu.memory_space<vmem>>
        %dma_wait3A_224 = tpu.memref_squeeze %dma_wait3A_223 : memref<1x96xi32, #tpu.memory_space<vmem>> -> memref<96xi32, #tpu.memory_space<vmem>>
        %dma_wait3A_225 = arith.constant 0 : i32
        %dma_wait3A_226 = arith.constant 0 : i32
        %dma_wait3A_227 = tpu.memref_slice %arg3[%dma_wait3A_225, %dma_wait3A_226] : memref<1000000x64xf32, #tpu.memory_space<hbm>> -> memref<1000000x64xf32, #tpu.memory_space<hbm>>
        tpu.wait_indirect_dma semaphore(%arg14 : memref<!tpu.dma_semaphore, #tpu.memory_space<semaphore_mem>>) src(%dma_wait3A_227 : memref<1000000x64xf32, #tpu.memory_space<hbm>>) dst(%dma_wait3A_221 : memref<96x64xf32, #tpu.memory_space<vmem>>)
        %dma_wait3A_228 = arith.constant 2 : i32
        %dma_wait3A_229 = arith.constant 1 : i32
        %dma_wait3A_230 = arith.constant 0 : i32
        %dma_wait3A_231 = arith.constant 0 : i32
        %dma_wait3A_232 = tpu.memref_slice %arg8[%dma_wait3A_228, %dma_wait3A_229, %dma_wait3A_230, %dma_wait3A_231] : memref<3x2x200x64xf32, #tpu.memory_space<vmem>> -> memref<1x1x104x64xf32, #tpu.memory_space<vmem>>
        %dma_wait3A_233 = tpu.memref_squeeze %dma_wait3A_232 : memref<1x1x104x64xf32, #tpu.memory_space<vmem>> -> memref<104x64xf32, #tpu.memory_space<vmem>>
        %dma_wait3A_234 = arith.constant 0 : i32
        %dma_wait3A_235 = tpu.memref_slice %arg6[%add3A_199, %dma_wait3A_234] : memref<32x200xi32, #tpu.memory_space<vmem>> -> memref<1x104xi32, #tpu.memory_space<vmem>>
        %dma_wait3A_236 = tpu.memref_squeeze %dma_wait3A_235 : memref<1x104xi32, #tpu.memory_space<vmem>> -> memref<104xi32, #tpu.memory_space<vmem>>
        %dma_wait3A_237 = arith.constant 0 : i32
        %dma_wait3A_238 = arith.constant 0 : i32
        %dma_wait3A_239 = tpu.memref_slice %arg3[%dma_wait3A_237, %dma_wait3A_238] : memref<1000000x64xf32, #tpu.memory_space<hbm>> -> memref<1000000x64xf32, #tpu.memory_space<hbm>>
        tpu.wait_indirect_dma semaphore(%arg14 : memref<!tpu.dma_semaphore, #tpu.memory_space<semaphore_mem>>) src(%dma_wait3A_239 : memref<1000000x64xf32, #tpu.memory_space<hbm>>) dst(%dma_wait3A_233 : memref<104x64xf32, #tpu.memory_space<vmem>>)
        %dma_wait3A_240 = arith.constant 2 : i32
        %dma_wait3A_241 = arith.constant 1 : i32
        %dma_wait3A_242 = arith.constant 104 : i32
        %dma_wait3A_243 = arith.constant 0 : i32
        %dma_wait3A_244 = tpu.memref_slice %arg8[%dma_wait3A_240, %dma_wait3A_241, %dma_wait3A_242, %dma_wait3A_243] : memref<3x2x200x64xf32, #tpu.memory_space<vmem>> -> memref<1x1x96x64xf32, #tpu.memory_space<vmem>>
        %dma_wait3A_245 = tpu.memref_squeeze %dma_wait3A_244 : memref<1x1x96x64xf32, #tpu.memory_space<vmem>> -> memref<96x64xf32, #tpu.memory_space<vmem>>
        %dma_wait3A_246 = arith.constant 104 : i32
        %dma_wait3A_247 = tpu.memref_slice %arg6[%add3A_203, %dma_wait3A_246] : memref<32x200xi32, #tpu.memory_space<vmem>> -> memref<1x96xi32, #tpu.memory_space<vmem>>
        %dma_wait3A_248 = tpu.memref_squeeze %dma_wait3A_247 : memref<1x96xi32, #tpu.memory_space<vmem>> -> memref<96xi32, #tpu.memory_space<vmem>>
        %dma_wait3A_249 = arith.constant 0 : i32
        %dma_wait3A_250 = arith.constant 0 : i32
        %dma_wait3A_251 = tpu.memref_slice %arg3[%dma_wait3A_249, %dma_wait3A_250] : memref<1000000x64xf32, #tpu.memory_space<hbm>> -> memref<1000000x64xf32, #tpu.memory_space<hbm>>
        tpu.wait_indirect_dma semaphore(%arg14 : memref<!tpu.dma_semaphore, #tpu.memory_space<semaphore_mem>>) src(%dma_wait3A_251 : memref<1000000x64xf32, #tpu.memory_space<hbm>>) dst(%dma_wait3A_245 : memref<96x64xf32, #tpu.memory_space<vmem>>)
        %sub3A_252 = arith.constant 2 : i32
        %sub3A_253 = arith.subi %add3A_107, %sub3A_252 : i32
        %mul3A_254 = arith.constant 2 : i32
        %mul3A_255 = arith.muli %sub3A_253, %mul3A_254 : i32
        %add3A_256 = arith.addi %mul3A_2, %mul3A_255 : i32
        %dma_start3A = arith.constant 2 : i32
        %dma_start3A_257 = arith.constant 0 : i32
        %dma_start3A_258 = arith.constant 0 : i32
        %dma_start3A_259 = arith.constant 0 : i32
        %dma_start3A_260 = tpu.memref_slice %arg8[%dma_start3A, %dma_start3A_257, %dma_start3A_258, %dma_start3A_259] : memref<3x2x200x64xf32, #tpu.memory_space<vmem>> -> memref<1x2x200x64xf32, #tpu.memory_space<vmem>>
        %dma_start3A_261 = tpu.memref_squeeze %dma_start3A_260 : memref<1x2x200x64xf32, #tpu.memory_space<vmem>> -> memref<2x200x64xf32, #tpu.memory_space<vmem>>
        %dma_start3A_262 = arith.constant 0 : i32
        %dma_start3A_263 = arith.constant 0 : i32
        %dma_start3A_264 = tpu.memref_slice %arg5[%add3A_256, %dma_start3A_262, %dma_start3A_263] : memref<1024x200x64xf32, #tpu.memory_space<hbm>> -> memref<2x200x64xf32, #tpu.memory_space<hbm>>
        %dma_start3A_265 = arith.constant 0 : i32
        %dma_start3A_266 = arith.constant 0 : i32
        %dma_start3A_267 = tpu.memref_slice %arg5[%add3A_256, %dma_start3A_265, %dma_start3A_266] : memref<1024x200x64xf32, #tpu.memory_space<hbm>> -> memref<2x200x64xf32, #tpu.memory_space<hbm>>
        %dma_start3A_268 = arith.constant 0 : i32
        %dma_start3A_269 = arith.constant 0 : i32
        %dma_start3A_270 = arith.constant 0 : i32
        %dma_start3A_271 = tpu.memref_slice %arg8[%dma_start3A, %dma_start3A_268, %dma_start3A_269, %dma_start3A_270] : memref<3x2x200x64xf32, #tpu.memory_space<vmem>> -> memref<1x2x200x64xf32, #tpu.memory_space<vmem>>
        %dma_start3A_272 = tpu.memref_squeeze %dma_start3A_271 : memref<1x2x200x64xf32, #tpu.memory_space<vmem>> -> memref<2x200x64xf32, #tpu.memory_space<vmem>>
        tpu.enqueue_dma source(%dma_start3A_272 : memref<2x200x64xf32, #tpu.memory_space<vmem>>) target(%dma_start3A_267 : memref<2x200x64xf32, #tpu.memory_space<hbm>>) target_semaphore(%arg17 : memref<!tpu.dma_semaphore, #tpu.memory_space<semaphore_mem>>)
      } else {
      }
      %mul3A_145 = arith.constant 3 : i32
      %mul3A_146 = arith.muli %scan3A_66, %mul3A_145 : i32
      %add3A_147 = arith.constant 2 : i32
      %add3A_148 = arith.addi %mul3A_146, %add3A_147 : i32
      %ge3A_149 = arith.constant 3 : i32
      %ge3A_150 = arith.cmpi sge, %add3A_148, %ge3A_149 : i32
      %lt3A_151 = arith.constant 16 : i32
      %lt3A_152 = arith.cmpi slt, %add3A_148, %lt3A_151 : i32
      %and3A_153 = arith.andi %ge3A_150, %lt3A_152 : i1
      %convert_element_type3A_154 = arith.extui %and3A_153 : i1 to i32
      %cond3A_155 = arith.constant 0 : i32
      %cond3A_156 = arith.cmpi ne, %convert_element_type3A_154, %cond3A_155 : i32
      scf.if %cond3A_156 {
        %sub3A_186 = arith.constant 3 : i32
        %sub3A_187 = arith.subi %add3A_148, %sub3A_186 : i32
        %mul3A_188 = arith.constant 2 : i32
        %mul3A_189 = arith.muli %sub3A_187, %mul3A_188 : i32
        %add3A_190 = arith.addi %mul3A_2, %mul3A_189 : i32
        %dma_wait3A_191 = arith.constant 2 : i32
        %dma_wait3A_192 = arith.constant 0 : i32
        %dma_wait3A_193 = arith.constant 0 : i32
        %dma_wait3A_194 = arith.constant 0 : i32
        %dma_wait3A_195 = tpu.memref_slice %arg8[%dma_wait3A_191, %dma_wait3A_192, %dma_wait3A_193, %dma_wait3A_194] : memref<3x2x200x64xf32, #tpu.memory_space<vmem>> -> memref<1x2x200x64xf32, #tpu.memory_space<vmem>>
        %dma_wait3A_196 = tpu.memref_squeeze %dma_wait3A_195 : memref<1x2x200x64xf32, #tpu.memory_space<vmem>> -> memref<2x200x64xf32, #tpu.memory_space<vmem>>
        %dma_wait3A_197 = arith.constant 0 : i32
        %dma_wait3A_198 = arith.constant 0 : i32
        %dma_wait3A_199 = tpu.memref_slice %arg5[%add3A_190, %dma_wait3A_197, %dma_wait3A_198] : memref<1024x200x64xf32, #tpu.memory_space<hbm>> -> memref<2x200x64xf32, #tpu.memory_space<hbm>>
        %dma_wait3A_200 = arith.constant 0 : i32
        %dma_wait3A_201 = arith.constant 0 : i32
        %dma_wait3A_202 = tpu.memref_slice %arg5[%add3A_190, %dma_wait3A_200, %dma_wait3A_201] : memref<1024x200x64xf32, #tpu.memory_space<hbm>> -> memref<2x200x64xf32, #tpu.memory_space<hbm>>
        %dma_wait3A_203 = arith.constant 0 : i32
        %dma_wait3A_204 = arith.constant 0 : i32
        %dma_wait3A_205 = arith.constant 0 : i32
        %dma_wait3A_206 = tpu.memref_slice %arg8[%dma_wait3A_191, %dma_wait3A_203, %dma_wait3A_204, %dma_wait3A_205] : memref<3x2x200x64xf32, #tpu.memory_space<vmem>> -> memref<1x2x200x64xf32, #tpu.memory_space<vmem>>
        %dma_wait3A_207 = tpu.memref_squeeze %dma_wait3A_206 : memref<1x2x200x64xf32, #tpu.memory_space<vmem>> -> memref<2x200x64xf32, #tpu.memory_space<vmem>>
        tpu.wait_dma2 semaphore(%arg17 : memref<!tpu.dma_semaphore, #tpu.memory_space<semaphore_mem>>) src(%dma_wait3A_207 : memref<2x200x64xf32, #tpu.memory_space<vmem>>) dst(%dma_wait3A_202 : memref<2x200x64xf32, #tpu.memory_space<hbm>>)
      } else {
      }
      %lt3A_157 = arith.constant 16 : i32
      %lt3A_158 = arith.cmpi slt, %add3A_148, %lt3A_157 : i32
      %convert_element_type3A_159 = arith.extui %lt3A_158 : i1 to i32
      %cond3A_160 = arith.constant 0 : i32
      %cond3A_161 = arith.cmpi ne, %convert_element_type3A_159, %cond3A_160 : i32
      scf.if %cond3A_161 {
        %dma_start3A = arith.constant 2 : i32
        %dma_start3A_186 = arith.constant 0 : i32
        %dma_start3A_187 = arith.constant 0 : i32
        %dma_start3A_188 = arith.constant 0 : i32
        %dma_start3A_189 = tpu.memref_slice %arg8[%dma_start3A, %dma_start3A_186, %dma_start3A_187, %dma_start3A_188] : memref<3x2x200x64xf32, #tpu.memory_space<vmem>> -> memref<1x1x200x64xf32, #tpu.memory_space<vmem>>
        %dma_start3A_190 = tpu.memref_squeeze %dma_start3A_189 : memref<1x1x200x64xf32, #tpu.memory_space<vmem>> -> memref<200x64xf32, #tpu.memory_space<vmem>>
        %dma_start3A_191 = arith.constant 0 : i32
        %dma_start3A_192 = arith.constant 0 : i32
        %dma_start3A_193 = tpu.memref_slice %arg8[%dma_start3A, %dma_start3A_186, %dma_start3A_191, %dma_start3A_192] : memref<3x2x200x64xf32, #tpu.memory_space<vmem>> -> memref<1x1x200x64xf32, #tpu.memory_space<vmem>>
        %dma_start3A_194 = tpu.memref_squeeze %dma_start3A_193 : memref<1x1x200x64xf32, #tpu.memory_space<vmem>> -> memref<200x64xf32, #tpu.memory_space<vmem>>
        tpu.enqueue_dma source(%arg7 : memref<200x64xf32, #tpu.memory_space<vmem_shared>>) target(%dma_start3A_194 : memref<200x64xf32, #tpu.memory_space<vmem>>) target_semaphore(%arg11 : memref<!tpu.dma_semaphore, #tpu.memory_space<semaphore_mem>>)
        %dma_start3A_195 = arith.constant 2 : i32
        %dma_start3A_196 = arith.constant 1 : i32
        %dma_start3A_197 = arith.constant 0 : i32
        %dma_start3A_198 = arith.constant 0 : i32
        %dma_start3A_199 = tpu.memref_slice %arg8[%dma_start3A_195, %dma_start3A_196, %dma_start3A_197, %dma_start3A_198] : memref<3x2x200x64xf32, #tpu.memory_space<vmem>> -> memref<1x1x200x64xf32, #tpu.memory_space<vmem>>
        %dma_start3A_200 = tpu.memref_squeeze %dma_start3A_199 : memref<1x1x200x64xf32, #tpu.memory_space<vmem>> -> memref<200x64xf32, #tpu.memory_space<vmem>>
        %dma_start3A_201 = arith.constant 0 : i32
        %dma_start3A_202 = arith.constant 0 : i32
        %dma_start3A_203 = tpu.memref_slice %arg8[%dma_start3A_195, %dma_start3A_196, %dma_start3A_201, %dma_start3A_202] : memref<3x2x200x64xf32, #tpu.memory_space<vmem>> -> memref<1x1x200x64xf32, #tpu.memory_space<vmem>>
        %dma_start3A_204 = tpu.memref_squeeze %dma_start3A_203 : memref<1x1x200x64xf32, #tpu.memory_space<vmem>> -> memref<200x64xf32, #tpu.memory_space<vmem>>
        tpu.enqueue_dma source(%arg7 : memref<200x64xf32, #tpu.memory_space<vmem_shared>>) target(%dma_start3A_204 : memref<200x64xf32, #tpu.memory_space<vmem>>) target_semaphore(%arg11 : memref<!tpu.dma_semaphore, #tpu.memory_space<semaphore_mem>>)
      } else {
      }
      %sub3A_162 = arith.constant 1 : i32
      %sub3A_163 = arith.subi %add3A_148, %sub3A_162 : i32
      %ge3A_164 = arith.constant 0 : i32
      %ge3A_165 = arith.cmpi sge, %sub3A_163, %ge3A_164 : i32
      %sub3A_166 = arith.constant 1 : i32
      %sub3A_167 = arith.subi %add3A_148, %sub3A_166 : i32
      %lt3A_168 = arith.constant 16 : i32
      %lt3A_169 = arith.cmpi slt, %sub3A_167, %lt3A_168 : i32
      %and3A_170 = arith.andi %ge3A_165, %lt3A_169 : i1
      %convert_element_type3A_171 = arith.extui %and3A_170 : i1 to i32
      %cond3A_172 = arith.constant 0 : i32
      %cond3A_173 = arith.cmpi ne, %convert_element_type3A_171, %cond3A_172 : i32
      scf.if %cond3A_173 {
        %dma_wait3A_186 = arith.constant 1 : i32
        %dma_wait3A_187 = arith.constant 0 : i32
        %dma_wait3A_188 = arith.constant 0 : i32
        %dma_wait3A_189 = arith.constant 0 : i32
        %dma_wait3A_190 = tpu.memref_slice %arg8[%dma_wait3A_186, %dma_wait3A_187, %dma_wait3A_188, %dma_wait3A_189] : memref<3x2x200x64xf32, #tpu.memory_space<vmem>> -> memref<1x1x200x64xf32, #tpu.memory_space<vmem>>
        %dma_wait3A_191 = tpu.memref_squeeze %dma_wait3A_190 : memref<1x1x200x64xf32, #tpu.memory_space<vmem>> -> memref<200x64xf32, #tpu.memory_space<vmem>>
        %dma_wait3A_192 = arith.constant 0 : i32
        %dma_wait3A_193 = arith.constant 0 : i32
        %dma_wait3A_194 = tpu.memref_slice %arg8[%dma_wait3A_186, %dma_wait3A_187, %dma_wait3A_192, %dma_wait3A_193] : memref<3x2x200x64xf32, #tpu.memory_space<vmem>> -> memref<1x1x200x64xf32, #tpu.memory_space<vmem>>
        %dma_wait3A_195 = tpu.memref_squeeze %dma_wait3A_194 : memref<1x1x200x64xf32, #tpu.memory_space<vmem>> -> memref<200x64xf32, #tpu.memory_space<vmem>>
        tpu.wait_dma2 semaphore(%arg10 : memref<!tpu.dma_semaphore, #tpu.memory_space<semaphore_mem>>) src(%arg7 : memref<200x64xf32, #tpu.memory_space<vmem_shared>>) dst(%dma_wait3A_195 : memref<200x64xf32, #tpu.memory_space<vmem>>)
        %dma_wait3A_196 = arith.constant 1 : i32
        %dma_wait3A_197 = arith.constant 1 : i32
        %dma_wait3A_198 = arith.constant 0 : i32
        %dma_wait3A_199 = arith.constant 0 : i32
        %dma_wait3A_200 = tpu.memref_slice %arg8[%dma_wait3A_196, %dma_wait3A_197, %dma_wait3A_198, %dma_wait3A_199] : memref<3x2x200x64xf32, #tpu.memory_space<vmem>> -> memref<1x1x200x64xf32, #tpu.memory_space<vmem>>
        %dma_wait3A_201 = tpu.memref_squeeze %dma_wait3A_200 : memref<1x1x200x64xf32, #tpu.memory_space<vmem>> -> memref<200x64xf32, #tpu.memory_space<vmem>>
        %dma_wait3A_202 = arith.constant 0 : i32
        %dma_wait3A_203 = arith.constant 0 : i32
        %dma_wait3A_204 = tpu.memref_slice %arg8[%dma_wait3A_196, %dma_wait3A_197, %dma_wait3A_202, %dma_wait3A_203] : memref<3x2x200x64xf32, #tpu.memory_space<vmem>> -> memref<1x1x200x64xf32, #tpu.memory_space<vmem>>
        %dma_wait3A_205 = tpu.memref_squeeze %dma_wait3A_204 : memref<1x1x200x64xf32, #tpu.memory_space<vmem>> -> memref<200x64xf32, #tpu.memory_space<vmem>>
        tpu.wait_dma2 semaphore(%arg10 : memref<!tpu.dma_semaphore, #tpu.memory_space<semaphore_mem>>) src(%arg7 : memref<200x64xf32, #tpu.memory_space<vmem_shared>>) dst(%dma_wait3A_205 : memref<200x64xf32, #tpu.memory_space<vmem>>)
        %sub3A_206 = arith.constant 1 : i32
        %sub3A_207 = arith.subi %add3A_148, %sub3A_206 : i32
        %mul3A_208 = arith.constant 2 : i32
        %mul3A_209 = arith.muli %sub3A_207, %mul3A_208 : i32
        %add3A_210 = arith.constant 0 : i32
        %add3A_211 = arith.addi %mul3A_209, %add3A_210 : i32
        %mul3A_212 = arith.constant 2 : i32
        %mul3A_213 = arith.muli %sub3A_207, %mul3A_212 : i32
        %add3A_214 = arith.constant 0 : i32
        %add3A_215 = arith.addi %mul3A_213, %add3A_214 : i32
        %mul3A_216 = arith.constant 2 : i32
        %mul3A_217 = arith.muli %sub3A_207, %mul3A_216 : i32
        %add3A_218 = arith.constant 1 : i32
        %add3A_219 = arith.addi %mul3A_217, %add3A_218 : i32
        %mul3A_220 = arith.constant 2 : i32
        %mul3A_221 = arith.muli %sub3A_207, %mul3A_220 : i32
        %add3A_222 = arith.constant 1 : i32
        %add3A_223 = arith.addi %mul3A_221, %add3A_222 : i32
        %dma_start3A = arith.constant 1 : i32
        %dma_start3A_224 = arith.constant 0 : i32
        %dma_start3A_225 = arith.constant 0 : i32
        %dma_start3A_226 = arith.constant 0 : i32
        %dma_start3A_227 = tpu.memref_slice %arg8[%dma_start3A, %dma_start3A_224, %dma_start3A_225, %dma_start3A_226] : memref<3x2x200x64xf32, #tpu.memory_space<vmem>> -> memref<1x1x104x64xf32, #tpu.memory_space<vmem>>
        %dma_start3A_228 = tpu.memref_squeeze %dma_start3A_227 : memref<1x1x104x64xf32, #tpu.memory_space<vmem>> -> memref<104x64xf32, #tpu.memory_space<vmem>>
        %dma_start3A_229 = arith.constant 0 : i32
        %dma_start3A_230 = tpu.memref_slice %arg6[%add3A_211, %dma_start3A_229] : memref<32x200xi32, #tpu.memory_space<vmem>> -> memref<1x104xi32, #tpu.memory_space<vmem>>
        %dma_start3A_231 = tpu.memref_squeeze %dma_start3A_230 : memref<1x104xi32, #tpu.memory_space<vmem>> -> memref<104xi32, #tpu.memory_space<vmem>>
        %dma_start3A_232 = arith.constant 0 : i32
        %dma_start3A_233 = arith.constant 0 : i32
        %dma_start3A_234 = tpu.memref_slice %arg3[%dma_start3A_232, %dma_start3A_233] : memref<1000000x64xf32, #tpu.memory_space<hbm>> -> memref<1000000x64xf32, #tpu.memory_space<hbm>>
        tpu.enqueue_indirect_dma source(%dma_start3A_234 : memref<1000000x64xf32, #tpu.memory_space<hbm>>) target(%dma_start3A_228 : memref<104x64xf32, #tpu.memory_space<vmem>>) offsets(%dma_start3A_231 : memref<104xi32, #tpu.memory_space<vmem>>) semaphore(%arg13 : memref<!tpu.dma_semaphore, #tpu.memory_space<semaphore_mem>>) {add = true}
        %dma_start3A_235 = arith.constant 1 : i32
        %dma_start3A_236 = arith.constant 0 : i32
        %dma_start3A_237 = arith.constant 104 : i32
        %dma_start3A_238 = arith.constant 0 : i32
        %dma_start3A_239 = tpu.memref_slice %arg8[%dma_start3A_235, %dma_start3A_236, %dma_start3A_237, %dma_start3A_238] : memref<3x2x200x64xf32, #tpu.memory_space<vmem>> -> memref<1x1x96x64xf32, #tpu.memory_space<vmem>>
        %dma_start3A_240 = tpu.memref_squeeze %dma_start3A_239 : memref<1x1x96x64xf32, #tpu.memory_space<vmem>> -> memref<96x64xf32, #tpu.memory_space<vmem>>
        %dma_start3A_241 = arith.constant 104 : i32
        %dma_start3A_242 = tpu.memref_slice %arg6[%add3A_215, %dma_start3A_241] : memref<32x200xi32, #tpu.memory_space<vmem>> -> memref<1x96xi32, #tpu.memory_space<vmem>>
        %dma_start3A_243 = tpu.memref_squeeze %dma_start3A_242 : memref<1x96xi32, #tpu.memory_space<vmem>> -> memref<96xi32, #tpu.memory_space<vmem>>
        %dma_start3A_244 = arith.constant 0 : i32
        %dma_start3A_245 = arith.constant 0 : i32
        %dma_start3A_246 = tpu.memref_slice %arg3[%dma_start3A_244, %dma_start3A_245] : memref<1000000x64xf32, #tpu.memory_space<hbm>> -> memref<1000000x64xf32, #tpu.memory_space<hbm>>
        tpu.enqueue_indirect_dma source(%dma_start3A_246 : memref<1000000x64xf32, #tpu.memory_space<hbm>>) target(%dma_start3A_240 : memref<96x64xf32, #tpu.memory_space<vmem>>) offsets(%dma_start3A_243 : memref<96xi32, #tpu.memory_space<vmem>>) semaphore(%arg13 : memref<!tpu.dma_semaphore, #tpu.memory_space<semaphore_mem>>) {add = true}
        %dma_start3A_247 = arith.constant 1 : i32
        %dma_start3A_248 = arith.constant 1 : i32
        %dma_start3A_249 = arith.constant 0 : i32
        %dma_start3A_250 = arith.constant 0 : i32
        %dma_start3A_251 = tpu.memref_slice %arg8[%dma_start3A_247, %dma_start3A_248, %dma_start3A_249, %dma_start3A_250] : memref<3x2x200x64xf32, #tpu.memory_space<vmem>> -> memref<1x1x104x64xf32, #tpu.memory_space<vmem>>
        %dma_start3A_252 = tpu.memref_squeeze %dma_start3A_251 : memref<1x1x104x64xf32, #tpu.memory_space<vmem>> -> memref<104x64xf32, #tpu.memory_space<vmem>>
        %dma_start3A_253 = arith.constant 0 : i32
        %dma_start3A_254 = tpu.memref_slice %arg6[%add3A_219, %dma_start3A_253] : memref<32x200xi32, #tpu.memory_space<vmem>> -> memref<1x104xi32, #tpu.memory_space<vmem>>
        %dma_start3A_255 = tpu.memref_squeeze %dma_start3A_254 : memref<1x104xi32, #tpu.memory_space<vmem>> -> memref<104xi32, #tpu.memory_space<vmem>>
        %dma_start3A_256 = arith.constant 0 : i32
        %dma_start3A_257 = arith.constant 0 : i32
        %dma_start3A_258 = tpu.memref_slice %arg3[%dma_start3A_256, %dma_start3A_257] : memref<1000000x64xf32, #tpu.memory_space<hbm>> -> memref<1000000x64xf32, #tpu.memory_space<hbm>>
        tpu.enqueue_indirect_dma source(%dma_start3A_258 : memref<1000000x64xf32, #tpu.memory_space<hbm>>) target(%dma_start3A_252 : memref<104x64xf32, #tpu.memory_space<vmem>>) offsets(%dma_start3A_255 : memref<104xi32, #tpu.memory_space<vmem>>) semaphore(%arg13 : memref<!tpu.dma_semaphore, #tpu.memory_space<semaphore_mem>>) {add = true}
        %dma_start3A_259 = arith.constant 1 : i32
        %dma_start3A_260 = arith.constant 1 : i32
        %dma_start3A_261 = arith.constant 104 : i32
        %dma_start3A_262 = arith.constant 0 : i32
        %dma_start3A_263 = tpu.memref_slice %arg8[%dma_start3A_259, %dma_start3A_260, %dma_start3A_261, %dma_start3A_262] : memref<3x2x200x64xf32, #tpu.memory_space<vmem>> -> memref<1x1x96x64xf32, #tpu.memory_space<vmem>>
        %dma_start3A_264 = tpu.memref_squeeze %dma_start3A_263 : memref<1x1x96x64xf32, #tpu.memory_space<vmem>> -> memref<96x64xf32, #tpu.memory_space<vmem>>
        %dma_start3A_265 = arith.constant 104 : i32
        %dma_start3A_266 = tpu.memref_slice %arg6[%add3A_223, %dma_start3A_265] : memref<32x200xi32, #tpu.memory_space<vmem>> -> memref<1x96xi32, #tpu.memory_space<vmem>>
        %dma_start3A_267 = tpu.memref_squeeze %dma_start3A_266 : memref<1x96xi32, #tpu.memory_space<vmem>> -> memref<96xi32, #tpu.memory_space<vmem>>
        %dma_start3A_268 = arith.constant 0 : i32
        %dma_start3A_269 = arith.constant 0 : i32
        %dma_start3A_270 = tpu.memref_slice %arg3[%dma_start3A_268, %dma_start3A_269] : memref<1000000x64xf32, #tpu.memory_space<hbm>> -> memref<1000000x64xf32, #tpu.memory_space<hbm>>
        tpu.enqueue_indirect_dma source(%dma_start3A_270 : memref<1000000x64xf32, #tpu.memory_space<hbm>>) target(%dma_start3A_264 : memref<96x64xf32, #tpu.memory_space<vmem>>) offsets(%dma_start3A_267 : memref<96xi32, #tpu.memory_space<vmem>>) semaphore(%arg13 : memref<!tpu.dma_semaphore, #tpu.memory_space<semaphore_mem>>) {add = true}
      } else {
      }
      %sub3A_174 = arith.constant 2 : i32
      %sub3A_175 = arith.subi %add3A_148, %sub3A_174 : i32
      %ge3A_176 = arith.constant 0 : i32
      %ge3A_177 = arith.cmpi sge, %sub3A_175, %ge3A_176 : i32
      %sub3A_178 = arith.constant 2 : i32
      %sub3A_179 = arith.subi %add3A_148, %sub3A_178 : i32
      %lt3A_180 = arith.constant 16 : i32
      %lt3A_181 = arith.cmpi slt, %sub3A_179, %lt3A_180 : i32
      %and3A_182 = arith.andi %ge3A_177, %lt3A_181 : i1
      %convert_element_type3A_183 = arith.extui %and3A_182 : i1 to i32
      %cond3A_184 = arith.constant 0 : i32
      %cond3A_185 = arith.cmpi ne, %convert_element_type3A_183, %cond3A_184 : i32
      scf.if %cond3A_185 {
        %sub3A_186 = arith.constant 2 : i32
        %sub3A_187 = arith.subi %add3A_148, %sub3A_186 : i32
        %mul3A_188 = arith.constant 2 : i32
        %mul3A_189 = arith.muli %sub3A_187, %mul3A_188 : i32
        %add3A_190 = arith.constant 0 : i32
        %add3A_191 = arith.addi %mul3A_189, %add3A_190 : i32
        %mul3A_192 = arith.constant 2 : i32
        %mul3A_193 = arith.muli %sub3A_187, %mul3A_192 : i32
        %add3A_194 = arith.constant 0 : i32
        %add3A_195 = arith.addi %mul3A_193, %add3A_194 : i32
        %mul3A_196 = arith.constant 2 : i32
        %mul3A_197 = arith.muli %sub3A_187, %mul3A_196 : i32
        %add3A_198 = arith.constant 1 : i32
        %add3A_199 = arith.addi %mul3A_197, %add3A_198 : i32
        %mul3A_200 = arith.constant 2 : i32
        %mul3A_201 = arith.muli %sub3A_187, %mul3A_200 : i32
        %add3A_202 = arith.constant 1 : i32
        %add3A_203 = arith.addi %mul3A_201, %add3A_202 : i32
        %dma_wait3A_204 = arith.constant 0 : i32
        %dma_wait3A_205 = arith.constant 0 : i32
        %dma_wait3A_206 = arith.constant 0 : i32
        %dma_wait3A_207 = arith.constant 0 : i32
        %dma_wait3A_208 = tpu.memref_slice %arg8[%dma_wait3A_204, %dma_wait3A_205, %dma_wait3A_206, %dma_wait3A_207] : memref<3x2x200x64xf32, #tpu.memory_space<vmem>> -> memref<1x1x104x64xf32, #tpu.memory_space<vmem>>
        %dma_wait3A_209 = tpu.memref_squeeze %dma_wait3A_208 : memref<1x1x104x64xf32, #tpu.memory_space<vmem>> -> memref<104x64xf32, #tpu.memory_space<vmem>>
        %dma_wait3A_210 = arith.constant 0 : i32
        %dma_wait3A_211 = tpu.memref_slice %arg6[%add3A_191, %dma_wait3A_210] : memref<32x200xi32, #tpu.memory_space<vmem>> -> memref<1x104xi32, #tpu.memory_space<vmem>>
        %dma_wait3A_212 = tpu.memref_squeeze %dma_wait3A_211 : memref<1x104xi32, #tpu.memory_space<vmem>> -> memref<104xi32, #tpu.memory_space<vmem>>
        %dma_wait3A_213 = arith.constant 0 : i32
        %dma_wait3A_214 = arith.constant 0 : i32
        %dma_wait3A_215 = tpu.memref_slice %arg3[%dma_wait3A_213, %dma_wait3A_214] : memref<1000000x64xf32, #tpu.memory_space<hbm>> -> memref<1000000x64xf32, #tpu.memory_space<hbm>>
        tpu.wait_indirect_dma semaphore(%arg12 : memref<!tpu.dma_semaphore, #tpu.memory_space<semaphore_mem>>) src(%dma_wait3A_215 : memref<1000000x64xf32, #tpu.memory_space<hbm>>) dst(%dma_wait3A_209 : memref<104x64xf32, #tpu.memory_space<vmem>>)
        %dma_wait3A_216 = arith.constant 0 : i32
        %dma_wait3A_217 = arith.constant 0 : i32
        %dma_wait3A_218 = arith.constant 104 : i32
        %dma_wait3A_219 = arith.constant 0 : i32
        %dma_wait3A_220 = tpu.memref_slice %arg8[%dma_wait3A_216, %dma_wait3A_217, %dma_wait3A_218, %dma_wait3A_219] : memref<3x2x200x64xf32, #tpu.memory_space<vmem>> -> memref<1x1x96x64xf32, #tpu.memory_space<vmem>>
        %dma_wait3A_221 = tpu.memref_squeeze %dma_wait3A_220 : memref<1x1x96x64xf32, #tpu.memory_space<vmem>> -> memref<96x64xf32, #tpu.memory_space<vmem>>
        %dma_wait3A_222 = arith.constant 104 : i32
        %dma_wait3A_223 = tpu.memref_slice %arg6[%add3A_195, %dma_wait3A_222] : memref<32x200xi32, #tpu.memory_space<vmem>> -> memref<1x96xi32, #tpu.memory_space<vmem>>
        %dma_wait3A_224 = tpu.memref_squeeze %dma_wait3A_223 : memref<1x96xi32, #tpu.memory_space<vmem>> -> memref<96xi32, #tpu.memory_space<vmem>>
        %dma_wait3A_225 = arith.constant 0 : i32
        %dma_wait3A_226 = arith.constant 0 : i32
        %dma_wait3A_227 = tpu.memref_slice %arg3[%dma_wait3A_225, %dma_wait3A_226] : memref<1000000x64xf32, #tpu.memory_space<hbm>> -> memref<1000000x64xf32, #tpu.memory_space<hbm>>
        tpu.wait_indirect_dma semaphore(%arg12 : memref<!tpu.dma_semaphore, #tpu.memory_space<semaphore_mem>>) src(%dma_wait3A_227 : memref<1000000x64xf32, #tpu.memory_space<hbm>>) dst(%dma_wait3A_221 : memref<96x64xf32, #tpu.memory_space<vmem>>)
        %dma_wait3A_228 = arith.constant 0 : i32
        %dma_wait3A_229 = arith.constant 1 : i32
        %dma_wait3A_230 = arith.constant 0 : i32
        %dma_wait3A_231 = arith.constant 0 : i32
        %dma_wait3A_232 = tpu.memref_slice %arg8[%dma_wait3A_228, %dma_wait3A_229, %dma_wait3A_230, %dma_wait3A_231] : memref<3x2x200x64xf32, #tpu.memory_space<vmem>> -> memref<1x1x104x64xf32, #tpu.memory_space<vmem>>
        %dma_wait3A_233 = tpu.memref_squeeze %dma_wait3A_232 : memref<1x1x104x64xf32, #tpu.memory_space<vmem>> -> memref<104x64xf32, #tpu.memory_space<vmem>>
        %dma_wait3A_234 = arith.constant 0 : i32
        %dma_wait3A_235 = tpu.memref_slice %arg6[%add3A_199, %dma_wait3A_234] : memref<32x200xi32, #tpu.memory_space<vmem>> -> memref<1x104xi32, #tpu.memory_space<vmem>>
        %dma_wait3A_236 = tpu.memref_squeeze %dma_wait3A_235 : memref<1x104xi32, #tpu.memory_space<vmem>> -> memref<104xi32, #tpu.memory_space<vmem>>
        %dma_wait3A_237 = arith.constant 0 : i32
        %dma_wait3A_238 = arith.constant 0 : i32
        %dma_wait3A_239 = tpu.memref_slice %arg3[%dma_wait3A_237, %dma_wait3A_238] : memref<1000000x64xf32, #tpu.memory_space<hbm>> -> memref<1000000x64xf32, #tpu.memory_space<hbm>>
        tpu.wait_indirect_dma semaphore(%arg12 : memref<!tpu.dma_semaphore, #tpu.memory_space<semaphore_mem>>) src(%dma_wait3A_239 : memref<1000000x64xf32, #tpu.memory_space<hbm>>) dst(%dma_wait3A_233 : memref<104x64xf32, #tpu.memory_space<vmem>>)
        %dma_wait3A_240 = arith.constant 0 : i32
        %dma_wait3A_241 = arith.constant 1 : i32
        %dma_wait3A_242 = arith.constant 104 : i32
        %dma_wait3A_243 = arith.constant 0 : i32
        %dma_wait3A_244 = tpu.memref_slice %arg8[%dma_wait3A_240, %dma_wait3A_241, %dma_wait3A_242, %dma_wait3A_243] : memref<3x2x200x64xf32, #tpu.memory_space<vmem>> -> memref<1x1x96x64xf32, #tpu.memory_space<vmem>>
        %dma_wait3A_245 = tpu.memref_squeeze %dma_wait3A_244 : memref<1x1x96x64xf32, #tpu.memory_space<vmem>> -> memref<96x64xf32, #tpu.memory_space<vmem>>
        %dma_wait3A_246 = arith.constant 104 : i32
        %dma_wait3A_247 = tpu.memref_slice %arg6[%add3A_203, %dma_wait3A_246] : memref<32x200xi32, #tpu.memory_space<vmem>> -> memref<1x96xi32, #tpu.memory_space<vmem>>
        %dma_wait3A_248 = tpu.memref_squeeze %dma_wait3A_247 : memref<1x96xi32, #tpu.memory_space<vmem>> -> memref<96xi32, #tpu.memory_space<vmem>>
        %dma_wait3A_249 = arith.constant 0 : i32
        %dma_wait3A_250 = arith.constant 0 : i32
        %dma_wait3A_251 = tpu.memref_slice %arg3[%dma_wait3A_249, %dma_wait3A_250] : memref<1000000x64xf32, #tpu.memory_space<hbm>> -> memref<1000000x64xf32, #tpu.memory_space<hbm>>
        tpu.wait_indirect_dma semaphore(%arg12 : memref<!tpu.dma_semaphore, #tpu.memory_space<semaphore_mem>>) src(%dma_wait3A_251 : memref<1000000x64xf32, #tpu.memory_space<hbm>>) dst(%dma_wait3A_245 : memref<96x64xf32, #tpu.memory_space<vmem>>)
        %sub3A_252 = arith.constant 2 : i32
        %sub3A_253 = arith.subi %add3A_148, %sub3A_252 : i32
        %mul3A_254 = arith.constant 2 : i32
        %mul3A_255 = arith.muli %sub3A_253, %mul3A_254 : i32
        %add3A_256 = arith.addi %mul3A_2, %mul3A_255 : i32
        %dma_start3A = arith.constant 0 : i32
        %dma_start3A_257 = arith.constant 0 : i32
        %dma_start3A_258 = arith.constant 0 : i32
        %dma_start3A_259 = arith.constant 0 : i32
        %dma_start3A_260 = tpu.memref_slice %arg8[%dma_start3A, %dma_start3A_257, %dma_start3A_258, %dma_start3A_259] : memref<3x2x200x64xf32, #tpu.memory_space<vmem>> -> memref<1x2x200x64xf32, #tpu.memory_space<vmem>>
        %dma_start3A_261 = tpu.memref_squeeze %dma_start3A_260 : memref<1x2x200x64xf32, #tpu.memory_space<vmem>> -> memref<2x200x64xf32, #tpu.memory_space<vmem>>
        %dma_start3A_262 = arith.constant 0 : i32
        %dma_start3A_263 = arith.constant 0 : i32
        %dma_start3A_264 = tpu.memref_slice %arg5[%add3A_256, %dma_start3A_262, %dma_start3A_263] : memref<1024x200x64xf32, #tpu.memory_space<hbm>> -> memref<2x200x64xf32, #tpu.memory_space<hbm>>
        %dma_start3A_265 = arith.constant 0 : i32
        %dma_start3A_266 = arith.constant 0 : i32
        %dma_start3A_267 = tpu.memref_slice %arg5[%add3A_256, %dma_start3A_265, %dma_start3A_266] : memref<1024x200x64xf32, #tpu.memory_space<hbm>> -> memref<2x200x64xf32, #tpu.memory_space<hbm>>
        %dma_start3A_268 = arith.constant 0 : i32
        %dma_start3A_269 = arith.constant 0 : i32
        %dma_start3A_270 = arith.constant 0 : i32
        %dma_start3A_271 = tpu.memref_slice %arg8[%dma_start3A, %dma_start3A_268, %dma_start3A_269, %dma_start3A_270] : memref<3x2x200x64xf32, #tpu.memory_space<vmem>> -> memref<1x2x200x64xf32, #tpu.memory_space<vmem>>
        %dma_start3A_272 = tpu.memref_squeeze %dma_start3A_271 : memref<1x2x200x64xf32, #tpu.memory_space<vmem>> -> memref<2x200x64xf32, #tpu.memory_space<vmem>>
        tpu.enqueue_dma source(%dma_start3A_272 : memref<2x200x64xf32, #tpu.memory_space<vmem>>) target(%dma_start3A_267 : memref<2x200x64xf32, #tpu.memory_space<hbm>>) target_semaphore(%arg15 : memref<!tpu.dma_semaphore, #tpu.memory_space<semaphore_mem>>)
      } else {
      }
    }
    %scan3A_9 = arith.constant 6 : i32
    %add3A_10 = arith.constant 26 : i32
    %add3A_11 = arith.addi %mul3A_2, %add3A_10 : i32
    %dma_wait3A = arith.constant 1 : i32
    %dma_wait3A_12 = arith.constant 0 : i32
    %dma_wait3A_13 = arith.constant 0 : i32
    %dma_wait3A_14 = arith.constant 0 : i32
    %dma_wait3A_15 = tpu.memref_slice %arg8[%dma_wait3A, %dma_wait3A_12, %dma_wait3A_13, %dma_wait3A_14] : memref<3x2x200x64xf32, #tpu.memory_space<vmem>> -> memref<1x2x200x64xf32, #tpu.memory_space<vmem>>
    %dma_wait3A_16 = tpu.memref_squeeze %dma_wait3A_15 : memref<1x2x200x64xf32, #tpu.memory_space<vmem>> -> memref<2x200x64xf32, #tpu.memory_space<vmem>>
    %dma_wait3A_17 = arith.constant 0 : i32
    %dma_wait3A_18 = arith.constant 0 : i32
    %dma_wait3A_19 = tpu.memref_slice %arg5[%add3A_11, %dma_wait3A_17, %dma_wait3A_18] : memref<1024x200x64xf32, #tpu.memory_space<hbm>> -> memref<2x200x64xf32, #tpu.memory_space<hbm>>
    %dma_wait3A_20 = arith.constant 0 : i32
    %dma_wait3A_21 = arith.constant 0 : i32
    %dma_wait3A_22 = tpu.memref_slice %arg5[%add3A_11, %dma_wait3A_20, %dma_wait3A_21] : memref<1024x200x64xf32, #tpu.memory_space<hbm>> -> memref<2x200x64xf32, #tpu.memory_space<hbm>>
    %dma_wait3A_23 = arith.constant 0 : i32
    %dma_wait3A_24 = arith.constant 0 : i32
    %dma_wait3A_25 = arith.constant 0 : i32
    %dma_wait3A_26 = tpu.memref_slice %arg8[%dma_wait3A, %dma_wait3A_23, %dma_wait3A_24, %dma_wait3A_25] : memref<3x2x200x64xf32, #tpu.memory_space<vmem>> -> memref<1x2x200x64xf32, #tpu.memory_space<vmem>>
    %dma_wait3A_27 = tpu.memref_squeeze %dma_wait3A_26 : memref<1x2x200x64xf32, #tpu.memory_space<vmem>> -> memref<2x200x64xf32, #tpu.memory_space<vmem>>
    tpu.wait_dma2 semaphore(%arg16 : memref<!tpu.dma_semaphore, #tpu.memory_space<semaphore_mem>>) src(%dma_wait3A_27 : memref<2x200x64xf32, #tpu.memory_space<vmem>>) dst(%dma_wait3A_22 : memref<2x200x64xf32, #tpu.memory_space<hbm>>)
    %add3A_28 = arith.constant 28 : i32
    %add3A_29 = arith.addi %mul3A_2, %add3A_28 : i32
    %dma_wait3A_30 = arith.constant 2 : i32
    %dma_wait3A_31 = arith.constant 0 : i32
    %dma_wait3A_32 = arith.constant 0 : i32
    %dma_wait3A_33 = arith.constant 0 : i32
    %dma_wait3A_34 = tpu.memref_slice %arg8[%dma_wait3A_30, %dma_wait3A_31, %dma_wait3A_32, %dma_wait3A_33] : memref<3x2x200x64xf32, #tpu.memory_space<vmem>> -> memref<1x2x200x64xf32, #tpu.memory_space<vmem>>
    %dma_wait3A_35 = tpu.memref_squeeze %dma_wait3A_34 : memref<1x2x200x64xf32, #tpu.memory_space<vmem>> -> memref<2x200x64xf32, #tpu.memory_space<vmem>>
    %dma_wait3A_36 = arith.constant 0 : i32
    %dma_wait3A_37 = arith.constant 0 : i32
    %dma_wait3A_38 = tpu.memref_slice %arg5[%add3A_29, %dma_wait3A_36, %dma_wait3A_37] : memref<1024x200x64xf32, #tpu.memory_space<hbm>> -> memref<2x200x64xf32, #tpu.memory_space<hbm>>
    %dma_wait3A_39 = arith.constant 0 : i32
    %dma_wait3A_40 = arith.constant 0 : i32
    %dma_wait3A_41 = tpu.memref_slice %arg5[%add3A_29, %dma_wait3A_39, %dma_wait3A_40] : memref<1024x200x64xf32, #tpu.memory_space<hbm>> -> memref<2x200x64xf32, #tpu.memory_space<hbm>>
    %dma_wait3A_42 = arith.constant 0 : i32
    %dma_wait3A_43 = arith.constant 0 : i32
    %dma_wait3A_44 = arith.constant 0 : i32
    %dma_wait3A_45 = tpu.memref_slice %arg8[%dma_wait3A_30, %dma_wait3A_42, %dma_wait3A_43, %dma_wait3A_44] : memref<3x2x200x64xf32, #tpu.memory_space<vmem>> -> memref<1x2x200x64xf32, #tpu.memory_space<vmem>>
    %dma_wait3A_46 = tpu.memref_squeeze %dma_wait3A_45 : memref<1x2x200x64xf32, #tpu.memory_space<vmem>> -> memref<2x200x64xf32, #tpu.memory_space<vmem>>
    tpu.wait_dma2 semaphore(%arg17 : memref<!tpu.dma_semaphore, #tpu.memory_space<semaphore_mem>>) src(%dma_wait3A_46 : memref<2x200x64xf32, #tpu.memory_space<vmem>>) dst(%dma_wait3A_41 : memref<2x200x64xf32, #tpu.memory_space<hbm>>)
    %add3A_47 = arith.constant 30 : i32
    %add3A_48 = arith.addi %mul3A_2, %add3A_47 : i32
    %dma_wait3A_49 = arith.constant 0 : i32
    %dma_wait3A_50 = arith.constant 0 : i32
    %dma_wait3A_51 = arith.constant 0 : i32
    %dma_wait3A_52 = arith.constant 0 : i32
    %dma_wait3A_53 = tpu.memref_slice %arg8[%dma_wait3A_49, %dma_wait3A_50, %dma_wait3A_51, %dma_wait3A_52] : memref<3x2x200x64xf32, #tpu.memory_space<vmem>> -> memref<1x2x200x64xf32, #tpu.memory_space<vmem>>
    %dma_wait3A_54 = tpu.memref_squeeze %dma_wait3A_53 : memref<1x2x200x64xf32, #tpu.memory_space<vmem>> -> memref<2x200x64xf32, #tpu.memory_space<vmem>>
    %dma_wait3A_55 = arith.constant 0 : i32
    %dma_wait3A_56 = arith.constant 0 : i32
    %dma_wait3A_57 = tpu.memref_slice %arg5[%add3A_48, %dma_wait3A_55, %dma_wait3A_56] : memref<1024x200x64xf32, #tpu.memory_space<hbm>> -> memref<2x200x64xf32, #tpu.memory_space<hbm>>
    %dma_wait3A_58 = arith.constant 0 : i32
    %dma_wait3A_59 = arith.constant 0 : i32
    %dma_wait3A_60 = tpu.memref_slice %arg5[%add3A_48, %dma_wait3A_58, %dma_wait3A_59] : memref<1024x200x64xf32, #tpu.memory_space<hbm>> -> memref<2x200x64xf32, #tpu.memory_space<hbm>>
    %dma_wait3A_61 = arith.constant 0 : i32
    %dma_wait3A_62 = arith.constant 0 : i32
    %dma_wait3A_63 = arith.constant 0 : i32
    %dma_wait3A_64 = tpu.memref_slice %arg8[%dma_wait3A_49, %dma_wait3A_61, %dma_wait3A_62, %dma_wait3A_63] : memref<3x2x200x64xf32, #tpu.memory_space<vmem>> -> memref<1x2x200x64xf32, #tpu.memory_space<vmem>>
    %dma_wait3A_65 = tpu.memref_squeeze %dma_wait3A_64 : memref<1x2x200x64xf32, #tpu.memory_space<vmem>> -> memref<2x200x64xf32, #tpu.memory_space<vmem>>
    tpu.wait_dma2 semaphore(%arg15 : memref<!tpu.dma_semaphore, #tpu.memory_space<semaphore_mem>>) src(%dma_wait3A_65 : memref<2x200x64xf32, #tpu.memory_space<vmem>>) dst(%dma_wait3A_60 : memref<2x200x64xf32, #tpu.memory_space<hbm>>)
    return
  }
}

</mosaic_0001>

<sc_bundles>
// kernel: kernel.3.cloned.1.call-start
scs
__scs_entry_jumppad:
0x0: {  	(pc) =	sbr.rel $0x88, $3  }
0x1: {  	(tag) =	ssettag $0x0;
	lr =	simm.s32 $0x1  }
0x2: {  	[smem:$0x3F9E] =	sst lr;
	_ =	strace $0xD0000000  }
0x3: {  	_ = 	snop  }
0x4: {  	_ = 	snop  }
0x5: {  	_ = 	snop  }
0x6: {  	_ = 	snop  }
0x7: {  	_ = 	snop  }
__scs_overlays_trampoline_lowered:
0x8: {  	[smem:$0x3FAD] =	sst s0  }
0x9: {  	[smem:$0x3FAE] =	sst s1  }
0xa: {  	[smem:$0x3FAF] =	sst s2  }
0xb: {  	[smem:$0x3FB0] =	sst s3  }
0xc: {  	[smem:$0x3FB1] =	sst s4  }
0xd: {  	[smem:$0x3FB2] =	sst s5  }
0xe: {  	[smem:$0x3FB3] =	sst s6  }
0xf: {  	[smem:$0x3FB4] =	sst s7  }
0x10: {  	[smem:$0x3FB5] =	sst s8  }
0x11: {  	[smem:$0x3FB6] =	sst s9;
	s0 =	simm.s32 @!p0 $0x0  }
0x12: {  	s1 =	sld [smem:$0x3F9C];
	s0 =	simm.s32 @p0 $0x1  }
0x13: {  	[smem:$0x3FB7] =	sst s0;
	s0 =	simm.s32 @!p1 $0x0  }
0x14: {  	s2 =	sld [smem:$0x3F9B];
	s0 =	simm.s32 @p1 $0x1  }
0x15: {  	[smem:$0x3FB8] =	sst s0;
	s0 =	simm.s32 @!p2 $0x0  }
0x16: {  	s3 =	sld [smem:$0x3FDB];
	s0 =	simm.s32 @p2 $0x1  }
0x17: {  	s4 =	simm.s32 $0x1BF5;
	[smem:$0x3FBA] =	sst s0  }
0x18: {  	s0 =	sld [smem:$0x3F9D];
	_ =	swait.ge [sflag:s4], $0x0  }
0x19: {  	s7 =	sld [smem:$0x3F9E]  }
0x1a: {  	s8 =	sadd.s32 $0xFFFFE003, lr  }
0x1b: {  	s9 =	sadd.s32 $0xFFFFFEF7, lr;
	s5 =	simm.s32 $0xFFFFFFFF;
	p2 =	slt.u32 s8, $0xFFFFF086  }
0x1c: {  	p1 =	slt.u32 s9, $0xF7A;
	s5 =	simm.s32 @!p2 $0x0  }
0x1d: {  	s5 =	simm.s32 @p1 $0x1;
	p0 =	seq.s32 s7, s2  }
0x1e: {  	s7 =	smul.u32 @!p0 $0xF7A, s2;
	p2 =	seq.s32 @!p0 s5, $0x0  }
0x1f: {  	s9 =	smul.u32 $0xF7A, s1;
	s8 =	simm.s32 @!p0 $0x1BF5;
	p2 =	por !p2, p0  }
0x20: {  	[sflag:s8] =	ssyncset.s32 @!p0 $0xFFFFF086;
	s6 =	sadd.s32 @!p0 s3, s7;
	s7 =	simm.s32 @!p0 $0x108  }
0x21: {  	s3 =	sadd.s32 s3, s9;
	s6 =	sadd.s32 @!p0 $0x88, s6;
	s7 =	simm.s32 @p2 $0x1082  }
0x22: {  	[simem:s7], [sflag:s8] =	dma.local @!p0 [hbm:s6], $0xF7A  }
0x23: {  	s9 =	sor.u32 $0xD0000000, s2;
	s6 =	simm.s32 $0x108;
	_ =	swait.ge @!p0 [sflag:s8], $0x0  }
0x24: {  	s3 =	sadd.s32 $0x88, s3;
	s6 =	simm.s32 @!p1 $0x1082;
	[sflag:s4] =	ssyncset.s32 $0xFFFFF086  }
0x25: {  	[simem:s6], [sflag:s4] =	dma.local [hbm:s3], $0xF7A  }
0x26: {  	[smem:$0x3F9E] =	sst s1;
	(tag) =	ssettag s2;
	_ =	strace s9  }
0x27: {  	s1 =	sld [smem:$0x3FAE]  }
0x28: {  	s2 =	sld [smem:$0x3FAF]  }
0x29: {  	s4 =	sld [smem:$0x3FB1]  }
0x2a: {  	p0 =	seq.s32 s5, $0x0;
	s5 =	sld [smem:$0x3FB2]  }
0x2b: {  	s6 =	sld [smem:$0x3FB3]  }
0x2c: {  	s7 =	sld [smem:$0x3FB4]  }
0x2d: {  	s3 =	simm.s32 $0x108;
	s8 =	sld [smem:$0x3FB5]  }
0x2e: {  	s3 =	simm.s32 @!p0 $0x1082;
	s9 =	sld [smem:$0x3FB6]  }
0x2f: {  	lr =	sadd.s32 s0, s3;
	s0 =	sld [smem:$0x3FAD]  }
0x30: {  	s3 =	sld [smem:$0x3FB0]  }
0x31: {  	[smem:$0x3FB9] =	sst s10  }
0x32: {  	s10 =	sld [smem:$0x3FB7];
	_ =	sdelay $0x3  }
0x33: {  	p0 =	seq.s32 s10, $0x1;
	s10 =	sld [smem:$0x3FB9];
	_ =	sdelay $0x3  }
0x34: {  	[smem:$0x3FB9] =	sst s10  }
0x35: {  	s10 =	sld [smem:$0x3FB8];
	_ =	sdelay $0x3  }
0x36: {  	p1 =	seq.s32 s10, $0x1;
	s10 =	sld [smem:$0x3FB9];
	_ =	sdelay $0x3  }
0x37: {  	[smem:$0x3FB9] =	sst s10  }
0x38: {  	s10 =	sld [smem:$0x3FBA]  }
0x39: {  	_ = 	snop;
	(pc) =	sbr.ind lr, $3  }
0x3a: {  	_ = 	snop  }
0x3b: {  	_ = 	snop  }
0x3c: {  	p2 =	seq.s32 s10, $0x1;
	s10 =	sld [smem:$0x3FB9]  }
0x3d: {  	_ =	shalt  }
0x3e: {  	_ =	shalt  }
0x3f: {  	_ =	shalt  }
0x40: {  	_ =	shalt  }
0x41: {  	_ =	shalt  }
0x42: {  	_ =	shalt  }
0x43: {  	_ =	shalt  }
0x44: {  	_ =	shalt  }
0x45: {  	_ =	shalt  }
0x46: {  	_ =	shalt  }
0x47: {  	_ =	shalt  }
0x48: {  	_ =	shalt  }
0x49: {  	_ =	shalt  }
0x4a: {  	_ =	shalt  }
0x4b: {  	_ =	shalt  }
0x4c: {  	_ =	shalt  }
0x4d: {  	_ =	shalt  }
0x4e: {  	_ =	shalt  }
0x4f: {  	_ =	shalt  }
0x50: {  	_ =	shalt  }
0x51: {  	_ =	shalt  }
0x52: {  	_ =	shalt  }
0x53: {  	_ =	shalt  }
0x54: {  	_ =	shalt  }
0x55: {  	_ =	shalt  }
0x56: {  	_ =	shalt  }
0x57: {  	_ =	shalt  }
0x58: {  	_ =	shalt  }
0x59: {  	_ =	shalt  }
0x5a: {  	_ =	shalt  }
0x5b: {  	_ =	shalt  }
0x5c: {  	_ =	shalt  }
0x5d: {  	_ =	shalt  }
0x5e: {  	_ =	shalt  }
0x5f: {  	_ =	shalt  }
0x60: {  	_ =	shalt  }
0x61: {  	_ =	shalt  }
0x62: {  	_ =	shalt  }
0x63: {  	_ =	shalt  }
0x64: {  	_ =	shalt  }
0x65: {  	_ =	shalt  }
0x66: {  	_ =	shalt  }
0x67: {  	_ =	shalt  }
0x68: {  	_ =	shalt  }
0x69: {  	_ =	shalt  }
0x6a: {  	_ =	shalt  }
0x6b: {  	_ =	shalt  }
0x6c: {  	_ =	shalt  }
0x6d: {  	_ =	shalt  }
0x6e: {  	_ =	shalt  }
0x6f: {  	_ =	shalt  }
0x70: {  	_ =	shalt  }
0x71: {  	_ =	shalt  }
0x72: {  	_ =	shalt  }
0x73: {  	_ =	shalt  }
0x74: {  	_ =	shalt  }
0x75: {  	_ =	shalt  }
0x76: {  	_ =	shalt  }
0x77: {  	_ =	shalt  }
0x78: {  	_ =	shalt  }
0x79: {  	_ =	shalt  }
0x7a: {  	_ =	shalt  }
0x7b: {  	_ =	shalt  }
0x7c: {  	_ =	shalt  }
0x7d: {  	_ =	shalt  }
0x7e: {  	_ =	shalt  }
0x7f: {  	_ =	shalt  }
0x80: {  	_ =	shalt  }
0x81: {  	_ =	shalt  }
0x82: {  	_ =	shalt  }
0x83: {  	_ =	shalt  }
0x84: {  	_ =	shalt  }
0x85: {  	_ =	shalt  }
0x86: {  	_ =	shalt  }
0x87: {  	_ =	shalt  }
.Lfunc_end0:
.L_simem_size_0:
called_computation.1_lowered:
.L_overlay_start_0:
0x88: {  	s2 =	sld [smem:$0x3FD9]  }
0x89: {  	s3 =	sld [smem:$0x3FFE];
	_ =	sdelay $0x1  }
0x8a: {  	s1 =	srdreg.scid  }
0x8b: {  	s0 =	sand.u32 $0x1, s1  }
0x8c: {  	s17 =	sshll.u32 s0, $0xA;
	s2 =	sadd.s32 s3, s2  }
0x8d: {  	s2 =	sadd.s32 s2, s17  }
0x8e: {  	[smem:$0x3FC5] =	sst s2  }
0x8f: {  	_ = 	snop  }
0x90: {  	s2 =	sld [smem:$0x3FD0];
	(tm) =	ssettm $0x1  }
0x91: {  	s18 =	sld [smem:$0x3FFB];
	_ =	sdelay $0x3  }
0x92: {  	_ =	strace s18  }
0x93: {  	s3 =	sld [smem:$0x3FFC];
	_ =	sdelay $0x3  }
0x94: {  	_ =	strace s3  }
0x95: {  	s3 =	sld [smem:$0x3FFD];
	_ =	sdelay $0x3  }
0x96: {  	_ =	strace s3  }
0x97: {  	_ =	strace $0x8FFFFFFF  }
0x98: {  	s19 =	sld [smem:$0x3FDB];
	_ =	sdelay $0x1  }
0x99: {  	s4 =	simm.s32 $_scs_section_size  }
0x9a: {  	s5 =	simm.s32 $_size__tile_overlayer_lowered;
	s6 =	simm.s32 $_tile_overlayer_lowered  }
0x9b: {  	s22 =	simm.s32 $0x1BFF;
	s21 =	sshll.u32 s6, $0x1;
	s3 =	sadd.s32 s4, s19  }
0x9c: {  	s7 =	simm.s32 $0x0;
	s20 =	sshll.u32 s5, $0x1;
	s5 =	sadd.s32 s21, s3  }
0x9d: {  	[timem:s7], [sflag:s22] =	dma.local [hbm:s5], s20  }
0x9e: {  	_ =	swait.ge [sflag:s22], s20  }
0x9f: {  	s4 =	ssub.s32 $0x0, s20;
	[sflag:s22] =	ssyncset.done $0x0  }
0xa0: {  	[sflag:s22] =	ssyncadd.s32 s4;
	_ =	sdelay $0x1  }
0xa1: {  	s23 =	simm.s32 $0x1B8B  }
0xa2: {  	_ =	swait.ge [sflag:s23], $0x1  }
0xa3: {  	[sflag:s23] =	ssyncset.done $0x0  }
0xa4: {  	s25 =	simm.s32 $0x1B8E;
	s24 =	sld [smem:$0x3FFE];
	[sflag:s23] =	ssyncadd.s32 $0xFFFFFFFF  }
0xa5: {  	s26 =	simm.s32 $execute0_lowered;
	[smem:$0x3FD2] =	sst s25  }
0xa6: {  	s5 =	sshll.u32 s26, $0x1;
	_ =	strace $0x80000046;
	[dreg:$0x1] =	wrdreg $0xFFFFFFFF  }
0xa7: {  	s28 =	simm.s32 $_size_execute0_lowered;
	s3 =	sadd.s32 s3, s5;
	[dreg:$0x0] =	wrdreg $0x0  }
0xa8: {  	s5 =	sshll.u32 s28, $0x1;
	[dreg:$0x2] =	wrdreg s3  }
0xa9: {  	[dreg:$0x3] =	wrdreg s5  }
0xaa: {  	[dreg:$0x4] =	wrdreg $0xC0  }
0xab: {  	_ =	task [dreg:s7], $0x5FFFF  }
0xac: {  	[dreg:$0x1] =	wrdreg $0xFFFFFFFF  }
0xad: {  	[dreg:$0x0] =	wrdreg $0x60  }
0xae: {  	[dreg:$0x2] =	wrdreg s24  }
0xaf: {  	[dreg:$0x3] =	wrdreg s2  }
0xb0: {  	[dreg:$0x4] =	wrdreg $0x19000  }
0xb1: {  	[dreg:$0x5] =	wrdreg $0x9  }
0xb2: {  	_ =	task.clear_ibuf [dreg:s7], $0x6FFFF;
	_ =	strace $0x90000046  }
0xb3: {  	s29 =	simm.s32 $0x9;
	_ =	strace $0x80000048  }
0xb4: {  	_ =	swait.ge [sflag:s29], $0x1  }
0xb5: {  	[sflag:s29] =	ssyncadd.s32 $0xFFFFFFFF  }
0xb6: {  	_ =	strace $0x90000048  }
0xb7: {  	_ =	sfence  }
0xb8: {  	s30 =	sld [smem:$0x0];
	_ =	sdelay $0x2  }
0xb9: {  	s31 =	sshll.u32 s1, $0xD;
	s1 =	sshrl.u32 s1, $0x2  }
0xba: {  	s3 =	sand.u32 $0x4000, s31;
	s1 =	sadd.s32 s1, s30  }
0xbb: {  	s0 =	sor.u32 s3, s0;
	s1 =	sshll.u32 s1, $0x11  }
0xbc: {  	s0 =	sor.u32 s1, s0  }
0xbd: {  	s0 =	sadd.s32 $0x8F2B, s0  }
0xbe: {  	[sflag:s0] =	ssyncadd.remote.s32 $0x1  }
0xbf: {  	_ =	sfence.sel $0xFFFF  }
0xc0: {  	[dreg:$0x0] =	wrdreg $0xFFFFFFFF;
	(pc) =	sbr.abs _section_cstart, $3  }
0xc1: {  	[dreg:$0x1] =	wrdreg $0xFFFFFFFF  }
0xc2: {  	_ =	task.clear_ibuf [dreg:s7], $0x2FFFF;
	_ =	strace $0x9FFFFFFF  }
0xc3: {  	(tm) =	ssettm $0x7FFFFFFF  }
tec
execute0_lowered:
.L_overlay_start_1:
0x0: {  	(tag) =	ssettag $0x1  }
0x1: {  	s6 =	rddreg [dreg:$0x0]  }
0x2: {  	s0 =	srdreg.scid;
	s1 =	rddreg [dreg:$0x1]  }
0x3: {  	s7 =	stileid.u32;
	s2 =	rddreg [dreg:$0x2];
	s12 =	simm.s32 $0x7  }
0x4: {  	s13 =	simm.s32 $0x1C20;
	s14 =	simm.s32 $0x4E20;
	s15 =	simm.s32 $0x3  }
0x5: {  	s16 =	simm.s32 $0x68;
	s17 =	simm.s32 $0xE420;
	s18 =	simm.s32 $0x60  }
0x6: {  	s19 =	simm.s32 $0xFE20;
	s20 =	simm.s32 $0x11620;
	s21 =	simm.s32 $0x13020  }
0x7: {  	s22 =	simm.s32 $0x5;
	s23 =	simm.s32 $0x8020;
	s24 =	simm.s32 $0x8  }
0x8: {  	s25 =	simm.s32 $0x1;
	s26 =	simm.s32 $0x3620;
	s0 =	sand.u32 $0x1, s0  }
0x9: {  	s3 =	sshll.u32 s7, $0x6;
	s11 =	smul.u32 $0x19000, s7;
	p0 =	sne.s32 s7, $0x0  }
0xa: {  	s4 =	sshll.u32 s0, $0x5;
	s9 =	ssub.s32 $0x2, s0;
	s0 =	smul.u32 $0xC800, s0  }
0xb: {  	s3 =	sor.u32 s4, s3;
	s4 =	simm.s32 $0x0;
	s31 =	sadd.s32 s11, s1  }
0xc: {  	s5 =	smul.u32 $0x19, s3;
	[smem:$0x7FF] =	sst s4;
	s0 =	sadd.s32 s0, s31  }
0xd: {  	s10 =	sshrl.u32 s9, $0x1;
	_ =	strace $0x80000047;
	[dreg:$0x7] =	wrdreg s0  }
.Ltmp0:
0xe: {  	s0 =	sshrl.u32 @!p0 s2, $0x3;
	s8 =	sadd.s32 s5, s6;
	(pc) =	sbr.rel .LBB2_1-.Ltmp0, $4  }
0xf: {  	s5 =	sadd.s32 $0xF43000, s6;
	s6 =	sadd.s32 $0xC00, s6;
	[dreg:$0x8] =	wrdreg s0  }
0x10: {  	s30 =	ssub.s32 s9, s10;
	[dreg:$0x4] =	wrdreg s6;
	s8 =	sadd.s32 $0xAA00, s8  }
0x11: {  	s28 =	simm.s32 $0x6820;
	s6 =	smax.u32 s30, $0x1;
	[dreg:$0x5] =	wrdreg s8  }
0x12: {  	s29 =	simm.s32 $0x4;
	[dreg:$0x6] =	wrdreg s6;
	s6 =	simm.s32 $0x0  }
.LBB2_14:
0x13: {  	_ =	swait.ge [sflag:s24], $0x6400  }
0x14: {  	[sflag:s24] =	ssyncset.done $0x0  }
0x15: {  	s0 =	simm.s32 $0x9;
	[sflag:s24] =	ssyncadd.s32 $0xFFFF9C00  }
0x16: {  	_ =	swait.ge [sflag:s0], $0x6400  }
0x17: {  	[sflag:s0] =	ssyncset.done $0x0  }
0x18: {  	[sflag:s0] =	ssyncadd.s32 $0xFFFF9C00  }
0x19: {  	_ =	swait.ge [sflag:s12], $0x6400  }
0x1a: {  	s6 =	rddreg [dreg:$0x9]  }
0x1b: {  	s31 =	rddreg [dreg:$0x6];
	s6 =	sadd.s32 $0x1, s6  }
0x1c: {  	p1 =	sne.s32 s6, s31  }
.Ltmp1:
0x1d: {  	_ = 	snop;
	(pc) =	sbr.rel @!p1 .LBB2_15-.Ltmp1, $3  }
0x1e: {  	_ =	sdelay $0x1  }
0x1f: {  	[sflag:s12] =	ssyncset.done $0x0  }
0x20: {  	[sflag:s12] =	ssyncadd.s32 $0xFFFF9C00  }
.LBB2_1:
0x21: {  	[dreg:$0x9] =	wrdreg s6  }
0x22: {  	s0 =	rddreg [dreg:$0x5];
	s31 =	simm.s32 $0xA  }
0x23: {  	[tilespmem:s4], [sflag:$0xA] =	stream.linear.gather [hbm4b:s0+s4], $0x1900, $0x38;
	[tilespmem:$0x14820] =	vst v63  }
0x24: {  	_ =	swait.ge [sflag:s31], $0x1900  }
0x25: {  	[sflag:s31] =	ssyncset.done $0x0;
	s0 =	rddreg [dreg:$0x4]  }
0x26: {  	s6 =	simm.s32 @!p0 $0x1C0A;
	s7 =	rddreg [dreg:$0x8];
	[sflag:s31] =	ssyncadd.s32 $0xFFFFE700  }
0x27: {  	[spmem:s7], [sflag:s6] =	dma.local @!p0 [hbm:s0], $0x640  }
0x28: {  	s6 =	simm.s32 @!p0 $0xA  }
.Ltmp2:
0x29: {  	_ =	swait.ge @!p0 [sflag:s6], $0x640;
	(pc) =	sbr.rel .LBB2_2-.Ltmp2, $4  }
0x2a: {  	[sflag:s6] =	ssyncset.done @!p0 $0x0  }
0x2b: {  	[sflag:s6] =	ssyncadd.s32 @!p0 $0xFFFFF9C0  }
0x2c: {  	s8 =	simm.s32 $0x0;
	[bflag:$0x0] =	sbarrier.arrive $0xFFFF  }
0x2d: {  	s7 =	simm.s32 $0x0;
	s6 =	simm.s32 $0x1;
	s9 =	rddreg [dreg:$0x7]  }
.LBB2_11:
0x2e: {  	_ =	swait.ge [sflag:s24], $0x6400  }
0x2f: {  	[sflag:s24] =	ssyncset.done $0x0  }
0x30: {  	p2 =	por $0x1, $0x1;
	[sflag:s24] =	ssyncadd.s32 $0xFFFF9C00  }
.LBB2_12:
0x31: {  	[tilespmem:s23], [sflag:$0x2] =	stream.linear.gather [spmem:s2], $0x3200, $0x38;
	[tilespmem:$0x14820] =	vst v63  }
0x32: {  	s0 =	simm.s32 $0xB220;
	p1 =	por $0x0, $0x0;
	s10 =	smov.u32 s6  }
0x33: {  	[tilespmem:s0], [sflag:$0x2] =	stream.linear.gather [spmem:s2], $0x3200, $0x38;
	[tilespmem:$0x14820] =	vst v63  }
.LBB2_13:
0x34: {  	_ =	swait.ge [sflag:s25], $0x3200  }
0x35: {  	[sflag:s25] =	ssyncset.done $0x0  }
0x36: {  	[sflag:s25] =	ssyncadd.s32 $0xFFFFCE00  }
0x37: {  	_ =	swait.ge [sflag:s25], $0x3200  }
0x38: {  	[sflag:s25] =	ssyncset.done $0x0  }
0x39: {  	s30 =	sshra.s32 s8, $0x2;
	[sflag:s25] =	ssyncadd.s32 $0xFFFFCE00  }
0x3a: {  	[tilespmem:s13], [sflag:$0x4] =	stream.indirect.gather.add.f32 [hbm:s5], $0x40, s30, s16, $0xb8;
	[tilespmem:$0x14820] =	vst v63  }
0x3b: {  	s0 =	sadd.s32 $0x68, s30  }
0x3c: {  	[tilespmem:s26], [sflag:$0x4] =	stream.indirect.gather.add.f32 [hbm:s5], $0x40, s0, s18, $0xb8;
	[tilespmem:$0x14820] =	vst v63  }
0x3d: {  	s31 =	sadd.s32 $0xC8, s30  }
0x3e: {  	[tilespmem:s14], [sflag:$0x4] =	stream.indirect.gather.add.f32 [hbm:s5], $0x40, s31, s16, $0xb8;
	[tilespmem:$0x14820] =	vst v63  }
0x3f: {  	s0 =	simm.s32 @p2 $0x6;
	s31 =	sadd.s32 $0x130, s30  }
0x40: {  	[tilespmem:s28], [sflag:$0x4] =	stream.indirect.gather.add.f32 [hbm:s5], $0x40, s31, s18, $0xb8;
	[tilespmem:$0x14820] =	vst v63  }
0x41: {  	_ =	swait.ge @p2 [sflag:s0], $0x1A00  }
0x42: {  	[sflag:s0] =	ssyncset.done @p2 $0x0  }
0x43: {  	[sflag:s0] =	ssyncadd.s32 @p2 $0xFFFFE600  }
0x44: {  	_ =	swait.ge @p2 [sflag:s0], $0x1800  }
0x45: {  	[sflag:s0] =	ssyncset.done @p2 $0x0  }
0x46: {  	[sflag:s0] =	ssyncadd.s32 @p2 $0xFFFFE800  }
0x47: {  	_ =	swait.ge @p2 [sflag:s0], $0x1A00  }
0x48: {  	s30 =	sshll.u32 @p2 s11, $0x1;
	[sflag:s0] =	ssyncset.done @p2 $0x0  }
0x49: {  	s30 =	sadd.s32 @p2 s3, s30;
	[sflag:s0] =	ssyncadd.s32 @p2 $0xFFFFE600  }
0x4a: {  	s30 =	smul.u32 @p2 $0x640, s30;
	_ =	swait.ge @p2 [sflag:s0], $0x1800  }
0x4b: {  	s31 =	simm.s32 @p2 $0xE420;
	[sflag:s0] =	ssyncset.done @p2 $0x0  }
0x4c: {  	[sflag:s0] =	ssyncadd.s32 @p2 $0xFFFFE800;
	s0 =	sadd.s32 @p2 s1, s30;
	s30 =	simm.s32 @p2 $0x0  }
0x4d: {  	[hbm4b:s0+s30] =	stream.linear.scatter @p2 [tilespmem:s31], [sflag:$0x9], $0x6400, $0x38;
	[tilespmem:$0x14820] =	vst v63  }
0x4e: {  	p2 =	sgt.u32 s11, $0xC  }
0x4f: {  	s0 =	simm.s32 @!p2 $0x9  }
0x50: {  	_ =	swait.ge @!p2 [sflag:s0], $0x6400  }
0x51: {  	[sflag:s0] =	ssyncset.done @!p2 $0x0  }
0x52: {  	[sflag:s0] =	ssyncadd.s32 @!p2 $0xFFFF9C00;
	s0 =	simm.s32 @!p1 $0xE420  }
0x53: {  	[tilespmem:s0], [sflag:$0x3] =	stream.linear.gather @!p1 [spmem:s2], $0x3200, $0x38;
	[tilespmem:$0x14820] =	vst v63  }
0x54: {  	s0 =	simm.s32 @!p1 $0x11620  }
0x55: {  	[tilespmem:s0], [sflag:$0x3] =	stream.linear.gather @!p1 [spmem:s2], $0x3200, $0x38;
	[tilespmem:$0x14820] =	vst v63  }
0x56: {  	s0 =	simm.s32 @!p1 $0x2  }
0x57: {  	_ =	swait.ge @!p1 [sflag:s0], $0x3200  }
0x58: {  	[sflag:s0] =	ssyncset.done @!p1 $0x0  }
0x59: {  	[sflag:s0] =	ssyncadd.s32 @!p1 $0xFFFFCE00  }
0x5a: {  	s10 =	smul.u32 @!p1 $0x640, s10;
	_ =	swait.ge @!p1 [sflag:s0], $0x3200  }
0x5b: {  	s11 =	simm.s32 @!p1 $0x8020;
	[sflag:s0] =	ssyncset.done @!p1 $0x0  }
0x5c: {  	[sflag:s0] =	ssyncadd.s32 @!p1 $0xFFFFCE00;
	s0 =	sshra.s32 @!p1 s10, $0x2;
	s10 =	simm.s32 @!p1 $0x68  }
0x5d: {  	[tilespmem:s11], [sflag:$0x5] =	stream.indirect.gather.add.f32 @!p1 [hbm:s5], $0x40, s0, s10, $0xb8;
	[tilespmem:$0x14820] =	vst v63  }
0x5e: {  	s30 =	simm.s32 @!p1 $0x60;
	s31 =	simm.s32 @!p1 $0x9A20;
	s11 =	sadd.s32 @!p1 $0x68, s0  }
0x5f: {  	[tilespmem:s31], [sflag:$0x5] =	stream.indirect.gather.add.f32 @!p1 [hbm:s5], $0x40, s11, s30, $0xb8;
	[tilespmem:$0x14820] =	vst v63  }
0x60: {  	s11 =	sadd.s32 @!p1 $0xC8, s0;
	s31 =	simm.s32 @!p1 $0xB220  }
0x61: {  	[tilespmem:s31], [sflag:$0x5] =	stream.indirect.gather.add.f32 @!p1 [hbm:s5], $0x40, s11, s10, $0xb8;
	[tilespmem:$0x14820] =	vst v63  }
0x62: {  	s0 =	sadd.s32 @!p1 $0x130, s0;
	s10 =	simm.s32 @!p1 $0xCC20  }
0x63: {  	[tilespmem:s10], [sflag:$0x5] =	stream.indirect.gather.add.f32 @!p1 [hbm:s5], $0x40, s0, s30, $0xb8;
	[tilespmem:$0x14820] =	vst v63  }
0x64: {  	_ =	swait.ge [sflag:s29], $0x1A00  }
0x65: {  	[sflag:s29] =	ssyncset.done $0x0  }
0x66: {  	[sflag:s29] =	ssyncadd.s32 $0xFFFFE600  }
0x67: {  	_ =	swait.ge [sflag:s29], $0x1800  }
0x68: {  	[sflag:s29] =	ssyncset.done $0x0  }
0x69: {  	[sflag:s29] =	ssyncadd.s32 $0xFFFFE800  }
0x6a: {  	_ =	swait.ge [sflag:s29], $0x1A00  }
0x6b: {  	s8 =	sadd.s32 $0x12C0, s8;
	[sflag:s29] =	ssyncset.done $0x0  }
0x6c: {  	p1 =	sne.s32 s8, $0x7080;
	[sflag:s29] =	ssyncadd.s32 $0xFFFFE600  }
.Ltmp3:
0x6d: {  	_ =	swait.ge [sflag:s29], $0x1800;
	(pc) =	sbr.rel @!p1 .LBB2_14-.Ltmp3, $4  }
0x6e: {  	[sflag:s29] =	ssyncset.done $0x0  }
0x6f: {  	[sflag:s29] =	ssyncadd.s32 $0xFFFFE800  }
0x70: {  	[hbm4b:s9+s4] =	stream.linear.scatter [tilespmem:s13], [sflag:$0x7], $0x6400, $0x38;
	[tilespmem:$0x14820] =	vst v63  }
0x71: {  	s7 =	sadd.s32 $0x1, s7;
	s6 =	sadd.s32 $0x3, s6;
	s9 =	sadd.s32 $0x2580, s9  }
.LBB2_2:
0x72: {  	s10 =	sadd.s32 $0xFFFFFFFC, s6  }
0x73: {  	p1 =	sgt.u32 s10, $0xC  }
.Ltmp4:
0x74: {  	_ = 	snop;
	(pc) =	sbr.rel @p1 .LBB2_7-.Ltmp4, $2  }
0x75: {  	_ =	sdelay $0x2  }
0x76: {  	s10 =	smul.u32 $0x3, s7  }
0x77: {  	_ =	swait.ge [sflag:s12], $0x6400  }
.Ltmp5:
0x78: {  	[sflag:s12] =	ssyncset.done $0x0;
	(pc) =	sbr.rel .LBB2_4-.Ltmp5, $4  }
0x79: {  	[sflag:s12] =	ssyncadd.s32 $0xFFFF9C00  }
0x7a: {  	[tilespmem:s13], [sflag:$0x1] =	stream.linear.gather [spmem:s2], $0x3200, $0x38;
	[tilespmem:$0x14820] =	vst v63  }
0x7b: {  	_ = 	snop  }
0x7c: {  	[tilespmem:s14], [sflag:$0x1] =	stream.linear.gather [spmem:s2], $0x3200, $0x38;
	[tilespmem:$0x14820] =	vst v63  }
.LBB2_7:
0x7d: {  	s11 =	sadd.s32 $0xFFFFFFFE, s6  }
0x7e: {  	p1 =	sgt.u32 s11, $0xF  }
.Ltmp6:
0x7f: {  	_ = 	snop;
	(pc) =	sbr.rel @p1 .LBB2_8-.Ltmp6, $4  }
0x80: {  	_ = 	snop  }
0x81: {  	[tilespmem:s13], [sflag:$0x1] =	stream.linear.gather [spmem:s2], $0x3200, $0x38;
	[tilespmem:$0x14820] =	vst v63  }
0x82: {  	_ = 	snop  }
0x83: {  	[tilespmem:s14], [sflag:$0x1] =	stream.linear.gather [spmem:s2], $0x3200, $0x38;
	[tilespmem:$0x14820] =	vst v63  }
.LBB2_4:
0x84: {  	_ =	swait.ge [sflag:s15], $0x3200  }
0x85: {  	[sflag:s15] =	ssyncset.done $0x0  }
0x86: {  	[sflag:s15] =	ssyncadd.s32 $0xFFFFCE00  }
0x87: {  	_ =	swait.ge [sflag:s15], $0x3200  }
0x88: {  	s11 =	sshra.s32 s8, $0x2;
	[sflag:s15] =	ssyncset.done $0x0  }
0x89: {  	s30 =	sadd.s32 $0xFFFFFE70, s11;
	[sflag:s15] =	ssyncadd.s32 $0xFFFFCE00  }
0x8a: {  	[tilespmem:s17], [sflag:$0x6] =	stream.indirect.gather.add.f32 [hbm:s5], $0x40, s30, s16, $0xb8;
	[tilespmem:$0x14820] =	vst v63  }
0x8b: {  	s31 =	sadd.s32 $0xFFFFFED8, s11  }
0x8c: {  	[tilespmem:s19], [sflag:$0x6] =	stream.indirect.gather.add.f32 [hbm:s5], $0x40, s31, s18, $0xb8;
	[tilespmem:$0x14820] =	vst v63  }
0x8d: {  	s31 =	sadd.s32 $0xFFFFFFFD, s6  }
0x8e: {  	p1 =	slt.u32 s31, $0x10  }
.Ltmp7:
0x8f: {  	s0 =	sadd.s32 $0xFFFFFF38, s11;
	(pc) =	sbr.rel @!p1 .LBB2_9-.Ltmp7, $4  }
0x90: {  	[tilespmem:s20], [sflag:$0x6] =	stream.indirect.gather.add.f32 [hbm:s5], $0x40, s0, s16, $0xb8;
	[tilespmem:$0x14820] =	vst v63  }
0x91: {  	s11 =	sadd.s32 $0xFFFFFFA0, s11  }
0x92: {  	[tilespmem:s21], [sflag:$0x6] =	stream.indirect.gather.add.f32 [hbm:s5], $0x40, s11, s18, $0xb8;
	[tilespmem:$0x14820] =	vst v63  }
0x93: {  	p2 =	por $0x1, $0x1;
	s11 =	sadd.s32 $0xFFFFFFFE, s6  }
0x94: {  	_ =	swait.ge [sflag:s22], $0x1A00  }
0x95: {  	[sflag:s22] =	ssyncset.done $0x0  }
0x96: {  	[sflag:s22] =	ssyncadd.s32 $0xFFFFE600  }
0x97: {  	_ =	swait.ge [sflag:s22], $0x1800  }
0x98: {  	[sflag:s22] =	ssyncset.done $0x0  }
0x99: {  	[sflag:s22] =	ssyncadd.s32 $0xFFFFE800  }
0x9a: {  	_ =	swait.ge [sflag:s22], $0x1A00  }
0x9b: {  	p1 =	seq.s32 s8, $0x5DC0;
	[sflag:s22] =	ssyncset.done $0x0  }
.Ltmp8:
0x9c: {  	[sflag:s22] =	ssyncadd.s32 $0xFFFFE600;
	(pc) =	sbr.rel @!p1 .LBB2_11-.Ltmp8, $4  }
0x9d: {  	_ =	swait.ge [sflag:s22], $0x1800  }
0x9e: {  	[sflag:s22] =	ssyncset.done $0x0  }
0x9f: {  	s30 =	sadd.s32 $0xFFFFE700, s9;
	[sflag:s22] =	ssyncadd.s32 $0xFFFFE800  }
0xa0: {  	[hbm4b:s30+s4] =	stream.linear.scatter [tilespmem:s23], [sflag:$0x8], $0x6400, $0x38;
	[tilespmem:$0x14820] =	vst v63  }
.Ltmp9:
0xa1: {  	(pc) =	sbr.rel .LBB2_13-.Ltmp9, $2  }
0xa2: {  	_ =	sdelay $0x2  }
0xa3: {  	s10 =	sadd.s32 $0x1, s10;
	p2 =	por $0x1, $0x1;
	p1 =	por $0x1, $0x1  }
.LBB2_8:
0xa4: {  	p2 =	por $0x0, $0x0;
	s11 =	simm.s32 $0xFFFFFFFF  }
.LBB2_9:
0xa5: {  	p1 =	seq.s32 s8, $0x5DC0  }
.Ltmp10:
0xa6: {  	_ = 	snop;
	(pc) =	sbr.rel @!p1 .LBB2_12-.Ltmp10, $1  }
0xa7: {  	_ =	sdelay $0x3  }
.Ltmp11:
0xa8: {  	(pc) =	sbr.rel .LBB2_13-.Ltmp11, $2  }
0xa9: {  	_ =	sdelay $0x2  }
0xaa: {  	s10 =	sadd.s32 $0x1, s10;
	p1 =	por $0x1, $0x1  }
.LBB2_15:
0xab: {  	_ =	sfence.sel $0x180000  }
0xac: {  	[bflag:$0x0] =	sbarrier.arrive $0xFFFF  }
0xad: {  	_ =	strace $0x90000047  }
0xae: {  	[bflag:$0x2] =	sbarrier.arrive $0xFFFF  }
0xaf: {  	s0 =	rddreg [dreg:$0x3]  }
0xb0: {  	s0 =	sadd.s32 @!p0 $0x100000, s0  }
0xb1: {  	[sflag:s0] =	ssyncadd.tile.s32 @!p0 $0x1;
	_ =	shalt  }
.Lfunc_end2:
_tile_overlayer_lowered:
.L_overlay_start_2:
0xb2: {  	(tag) =	ssettag $0x2  }
0xb3: {  	s0 =	rddreg [dreg:$0x0];
	s2 =	stileid.u32  }
0xb4: {  	s1 =	rddreg [dreg:$0x1];
	p0 =	sne.s32 s2, $0x0  }
0xb5: {  	s3 =	rddreg [dreg:$0x2];
	[bflag:$0x3] =	sbarrier.arrive $0xFFFF;
	s2 =	simm.s32 @!p0 $0x1C0A  }
0xb6: {  	[timem:s3], [sflag:s2] =	dma.local @!p0 [hbm:s0], s1  }
0xb7: {  	s0 =	simm.s32 @!p0 $0xA  }
0xb8: {  	_ =	swait.ge @!p0 [sflag:s0], s1  }
0xb9: {  	s1 =	ssub.s32 @!p0 $0x0, s1;
	[sflag:s0] =	ssyncset.done @!p0 $0x0  }
0xba: {  	[sflag:s0] =	ssyncadd.s32 @!p0 s1  }
0xbb: {  	[bflag:$0x3] =	sbarrier.arrive $0xFFFF  }
0xbc: {  	_ =	shalt  }

// kernel: sparse-core-data-format-call.cloned.1.call-start
scs
called_computation_lowered:
.L_overlay_start_0:
0x0: {  	s2 =	sld [smem:$0x3FD9]  }
0x1: {  	s3 =	sld [smem:$0x3FFE];
	_ =	sdelay $0x1  }
0x2: {  	s1 =	srdreg.scid  }
0x3: {  	s0 =	sand.u32 $0x1, s1  }
0x4: {  	s18 =	sshll.u32 s0, $0xA;
	s2 =	sadd.s32 s3, s2  }
0x5: {  	s2 =	sadd.s32 s2, s18  }
0x6: {  	[smem:$0x3FC5] =	sst s2  }
0x7: {  	_ = 	snop  }
0x8: {  	s2 =	sld [smem:$0x3FD0];
	(tm) =	ssettm $0x1  }
0x9: {  	s19 =	sld [smem:$0x3FFB];
	_ =	sdelay $0x3  }
0xa: {  	_ =	strace s19  }
0xb: {  	s3 =	sld [smem:$0x3FFC];
	_ =	sdelay $0x3  }
0xc: {  	_ =	strace s3  }
0xd: {  	s3 =	sld [smem:$0x3FFD];
	_ =	sdelay $0x3  }
0xe: {  	_ =	strace s3  }
0xf: {  	_ =	strace $0x8FFFFFFF  }
0x10: {  	s20 =	sld [smem:$0x3FDB];
	_ =	sdelay $0x1  }
0x11: {  	s4 =	simm.s32 $_scs_section_size  }
0x12: {  	s5 =	simm.s32 $_size__tile_overlayer_lowered;
	s6 =	simm.s32 $_tile_overlayer_lowered  }
0x13: {  	s23 =	simm.s32 $0x1BFF;
	s22 =	sshll.u32 s6, $0x1;
	s3 =	sadd.s32 s4, s20  }
0x14: {  	s7 =	simm.s32 $0x0;
	s21 =	sshll.u32 s5, $0x1;
	s5 =	sadd.s32 s22, s3  }
0x15: {  	[timem:s7], [sflag:s23] =	dma.local [hbm:s5], s21  }
0x16: {  	_ =	swait.ge [sflag:s23], s21  }
0x17: {  	s4 =	ssub.s32 $0x0, s21;
	[sflag:s23] =	ssyncset.done $0x0  }
0x18: {  	[sflag:s23] =	ssyncadd.s32 s4;
	_ =	sdelay $0x1  }
0x19: {  	s24 =	simm.s32 $0x1B8B  }
0x1a: {  	_ =	swait.ge [sflag:s24], $0x1  }
0x1b: {  	[sflag:s24] =	ssyncset.done $0x0  }
0x1c: {  	s26 =	simm.s32 $0x1B8E;
	s25 =	sld [smem:$0x3FFE];
	[sflag:s24] =	ssyncadd.s32 $0xFFFFFFFF  }
0x1d: {  	s27 =	simm.s32 $execute0_lowered;
	[smem:$0x3FD2] =	sst s26  }
0x1e: {  	s5 =	sshll.u32 s27, $0x1;
	_ =	strace $0x80000049;
	[dreg:$0x1] =	wrdreg $0xFFFFFFFF  }
0x1f: {  	s28 =	simm.s32 $_size_execute0_lowered;
	s3 =	sadd.s32 s3, s5;
	[dreg:$0x0] =	wrdreg $0x0  }
0x20: {  	s5 =	sshll.u32 s28, $0x1;
	[dreg:$0x2] =	wrdreg s3  }
0x21: {  	[dreg:$0x3] =	wrdreg s5  }
0x22: {  	[dreg:$0x4] =	wrdreg $0xC0  }
0x23: {  	_ =	task [dreg:s7], $0x5FFFF  }
0x24: {  	[dreg:$0x1] =	wrdreg $0xFFFFFFFF  }
0x25: {  	[dreg:$0x0] =	wrdreg $0x60  }
0x26: {  	[dreg:$0x2] =	wrdreg s25  }
0x27: {  	[dreg:$0x3] =	wrdreg s2  }
0x28: {  	[dreg:$0x4] =	wrdreg $0x9  }
0x29: {  	_ =	task.clear_ibuf [dreg:s7], $0x5FFFF;
	_ =	strace $0x90000049  }
0x2a: {  	s29 =	simm.s32 $0x9;
	_ =	strace $0x8000004B  }
0x2b: {  	_ =	swait.ge [sflag:s29], $0x1  }
0x2c: {  	[sflag:s29] =	ssyncadd.s32 $0xFFFFFFFF  }
0x2d: {  	_ =	strace $0x9000004B  }
0x2e: {  	_ =	sfence  }
0x2f: {  	s30 =	sld [smem:$0x0];
	_ =	sdelay $0x2  }
0x30: {  	s31 =	sshll.u32 s1, $0xD;
	s1 =	sshrl.u32 s1, $0x2  }
0x31: {  	s3 =	sand.u32 $0x4000, s31;
	s1 =	sadd.s32 s1, s30  }
0x32: {  	s0 =	sor.u32 s3, s0;
	s1 =	sshll.u32 s1, $0x11  }
0x33: {  	s0 =	sor.u32 s1, s0  }
0x34: {  	s0 =	sadd.s32 $0x8F2B, s0  }
0x35: {  	[sflag:s0] =	ssyncadd.remote.s32 $0x1  }
0x36: {  	_ =	sfence.sel $0xFFFF  }
0x37: {  	[dreg:$0x0] =	wrdreg $0xFFFFFFFF;
	(pc) =	sbr.abs _section_cstart, $3  }
0x38: {  	[dreg:$0x1] =	wrdreg $0xFFFFFFFF  }
0x39: {  	_ =	task.clear_ibuf [dreg:s7], $0x2FFFF;
	_ =	strace $0x9FFFFFFF  }
0x3a: {  	(tm) =	ssettm $0x7FFFFFFF  }
0x3b: {  	_ =	shalt  }
tec
execute0_lowered:
.L_overlay_start_1:
0x0: {  	(tag) =	ssettag $0x1  }
0x1: {  	s0 =	stileid.u32;
	s6 =	rddreg [dreg:$0x0]  }
0x2: {  	s2 =	rddreg [dreg:$0x1];
	s5 =	srdreg.scid  }
0x3: {  	s31 =	simm.s32 $0x2;
	s13 =	simm.s32 $0x0;
	s1 =	sshll.u32 s0, $0x7  }
0x4: {  	s14 =	simm.s32 $0x0;
	s12 =	simm.s32 $0x0;
	s3 =	sand.u32 $0x380, s1  }
0x5: {  	s5 =	sshll.u32 s5, $0x4;
	s6 =	sadd.s32 $0xC00, s6;
	s4 =	ssub.s32 $0x400, s3  }
0x6: {  	s1 =	rddreg [dreg:$0x2];
	_ =	strace $0x8000004A;
	s7 =	sand.u32 $0x380, s4  }
0x7: {  	s5 =	sand.u32 $0x10, s5;
	p0 =	sne.s32 s7, $0x0;
	s7 =	simm.s32 $0x1  }
.Ltmp0:
0x8: {  	s8 =	sshrl.u32 s4, $0xA;
	s7 =	simm.s32 @!p0 $0x0;
	(pc) =	sbr.rel .LBB1_1-.Ltmp0, $4  }
0x9: {  	s9 =	sor.u32 s0, s5;
	s4 =	simm.s32 $0x1;
	s30 =	sadd.s32 s7, s8  }
0xa: {  	s11 =	smov.u32 s3;
	[sflag:s4] =	ssyncpa.u1 $0x0;
	s5 =	smul.u32 $0x32, s30  }
0xb: {  	[sflag:s31] =	ssyncpa.u1 $0x0;
	p0 =	por $0x0, $0x0;
	s7 =	sshrl.u32 s9, $0x3  }
0xc: {  	s9 =	simm.s32 $0x2000;
	s10 =	smov.u32 s7;
	s8 =	sor.u32 $0x1, s5  }
.LBB1_4:
0xd: {  	s17 =	sand.u32 $0x1F80, s14;
	s13 =	sshll.u32 s13, $0xD  }
0xe: {  	[tilespmem:s16+$0x810 ss:$0x81] =	vst.msk $0xffff, v2;
	s18 =	sshrl.u32 s14, $0x3;
	s31 =	sand.u32 $0x7, s14;
	s17 =	sadd.s32 s2, s17  }
0xf: {  	[tilespmem:s16+$0x1020 ss:$0x81] =	vst.msk $0xffff, v0;
	s18 =	sand.u32 $0xF, s18;
	s14 =	sshll.u32 s31, $0x12;
	s13 =	sadd.s32 s13, s17  }
0x10: {  	[tilespmem:s16+$0x0 ss:$0x81] =	vst.msk $0xffff, v1;
	s14 =	sor.u32 $0x400, s14;
	s13 =	sadd.s32 s18, s13  }
0x11: {  	[hbm4b:s13+s14] =	stream.strided.scatter [tilespmem:s15], [sflag:$0x2], $0x2000, s9, s14, $0x20;
	[tilespmem:$0x8080] =	vst v63  }
.LBB1_5:
0x12: {  	s15 =	sadd.s32 $0x4, s10  }
0x13: {  	s13 =	sadd.s32 $0x400, s11;
	s17 =	smov.u32 s11;
	p2 =	sgt.s32 s15, $0xC7  }
0x14: {  	s17 =	smov.u32 @p2 s13  }
0x15: {  	s15 =	smov.u32 @p2 s7;
	p2 =	sgt.s32 s17, $0x3FF  }
0x16: {  	s17 =	smov.u32 @p2 s3;
	p2 =	sne.s32 s12, s8  }
.Ltmp1:
0x17: {  	p1 =	slt.u32 s12, $0x2;
	(pc) =	sbr.rel @!p2 .LBB1_6-.Ltmp1, $4  }
0x18: {  	s16 =	simm.s32 @!p1 $0x2  }
0x19: {  	s14 =	smov.u32 s11;
	p0 =	por !p0, !p0;
	_ =	swait.ge @!p1 [sflag:s16], $0x2000  }
0x1a: {  	s13 =	smov.u32 s10;
	[sflag:s16] =	ssyncset.done @!p1 $0x0;
	s10 =	smov.u32 s15  }
0x1b: {  	s12 =	sadd.s32 $0x1, s12;
	[sflag:s16] =	ssyncadd.s32 @!p1 $0xFFFFE000;
	s11 =	smov.u32 s17  }
.LBB1_1:
0x1c: {  	p1 =	sge.u32 s12, s5  }
0x1d: {  	s15 =	sand.u32 @!p1 $0x1FFFFFF, s10  }
0x1e: {  	s16 =	smulhi.u32 @!p1 $0x147AE15, s15;
	_ =	sdelay $0x1  }
0x1f: {  	s16 =	smul.u32 @!p1 $0xC8, s16  }
0x20: {  	s17 =	sxor.u32 @!p1 $0xFFFFFFFF, s12;
	s18 =	smul.u32 @!p1 $0xC80, s11  }
0x21: {  	s31 =	sadd.s32 $0xFFFFFFFF, s12;
	s17 =	sshll.u32 @!p1 s17, $0xD;
	s15 =	ssub.s32 @!p1 s15, s16  }
0x22: {  	s16 =	sand.u32 @!p1 $0x2000, s17;
	s17 =	sadd.s32 @!p1 s6, s18;
	s15 =	sshll.u32 @!p1 s15, $0x4  }
0x23: {  	s18 =	simm.s32 @!p1 $0x6400;
	s15 =	sadd.s32 @!p1 s15, s17;
	s17 =	simm.s32 @!p1 $0x40  }
0x24: {  	[tilespmem:s16], [sflag:$0x1] =	stream.strided.gather @!p1 [hbm4b:s15+s17], $0x2000, s18, s17, $0x38;
	[tilespmem:$0x8080] =	vst v63  }
0x25: {  	p1 =	sge.u32 s31, s5  }
.Ltmp2:
0x26: {  	_ = 	snop;
	(pc) =	sbr.rel @p1 .LBB1_5-.Ltmp2, $1  }
0x27: {  	_ =	sdelay $0x3  }
0x28: {  	s15 =	simm.s32 $0x1  }
0x29: {  	_ =	swait.ge [sflag:s4], $0x2000;
	s15 =	simm.s32 @!p0 $0x0  }
0x2a: {  	[sflag:s4] =	ssyncset.done $0x0;
	s16 =	sshll.u32 s15, $0xD  }
0x2b: {  	[sflag:s4] =	ssyncadd.s32 $0xFFFFE000;
	s19 =	sor.u32 $0x20, s16  }
0x2c: {  	s15 =	smul.u32 $0x8100, s15;
	v3 =	vld [tilespmem:s19+$0x10]  }
0x2d: {  	s30 =	sand.u32 $0x1, s12;
	v2 =	vld [tilespmem:s19+$0xFFFFFFF0]  }
0x2e: {  	s16 =	smul.u32 $0x8100, s30;
	s15 =	sshrl.u32 s15, $0x2;
	v0 =	vld [tilespmem:s19+$0x0]  }
0x2f: {  	v1 =	vld [tilespmem:s19+$0xFFFFFFE0];
	s17 =	sor.u32 $0x4000, s15  }
0x30: {  	s31 =	sshrl.u32 s16, $0x2;
	s16 =	sadd.s32 $0x0, s17  }
0x31: {  	s18 =	simm.s32 $0x4;
	s19 =	sadd.s32 $0x40, s19;
	s15 =	sor.u32 $0x4000, s31;
	[tilespmem:s16+$0x1830 ss:$0x81] =	vst.msk $0xffff, v3  }
.LBB1_3:
0x32: {  	v3 =	vld [tilespmem:s19+$0x10];
	p1 =	sne.s32 s18, $0x1FC;
	[tilespmem:s16+$0x810 ss:$0x81] =	vst.msk $0xffff, v2;
	s20 =	smov.u32 s18;
	s18 =	sadd.s32 $0x4, s18  }
.Ltmp3:
0x33: {  	v2 =	vld [tilespmem:s19+$0xFFFFFFF0];
	[tilespmem:s16+$0x1020 ss:$0x81] =	vst.msk $0xffff, v0;
	(pc) =	sbr.rel @p1 .LBB1_3-.Ltmp3, $4  }
0x34: {  	v0 =	vld [tilespmem:s19+$0x0];
	[tilespmem:s16+$0x0 ss:$0x81] =	vst.msk $0xffff, v1  }
0x35: {  	s16 =	sshra.s32 s20, $0x2;
	v1 =	vld [tilespmem:s19+$0xFFFFFFE0]  }
0x36: {  	s16 =	sadd.s32 s16, s17  }
0x37: {  	s19 =	sadd.s32 $0x40, s19;
	[tilespmem:s16+$0x1830 ss:$0x81] =	vst.msk $0xffff, v3  }
.Ltmp4:
0x38: {  	_ = 	snop;
	(pc) =	sbr.rel .LBB1_4-.Ltmp4, $1  }
0x39: {  	_ =	sdelay $0x3  }
.LBB1_6:
0x3a: {  	_ =	sfence.sel $0x180000  }
0x3b: {  	s2 =	simm.s32 $0x1;
	[bflag:$0x0] =	sbarrier.arrive $0xFFFF  }
0x3c: {  	s31 =	simm.s32 $0x2;
	[sflag:s2] =	ssyncpa.u1 $0x1  }
0x3d: {  	[sflag:s31] =	ssyncpa.u1 $0x1  }
0x3e: {  	p0 =	sne.s32 s0, $0x0;
	_ =	strace $0x9000004A  }
0x3f: {  	s0 =	sadd.s32 @!p0 $0x100000, s1;
	[bflag:$0x2] =	sbarrier.arrive $0xFFFF  }
0x40: {  	[sflag:s0] =	ssyncadd.tile.s32 @!p0 $0x1;
	_ =	shalt  }
.Lfunc_end1:
_tile_overlayer_lowered:
.L_overlay_start_2:
0x41: {  	(tag) =	ssettag $0x2  }
0x42: {  	s0 =	rddreg [dreg:$0x0];
	s2 =	stileid.u32  }
0x43: {  	s1 =	rddreg [dreg:$0x1];
	p0 =	sne.s32 s2, $0x0  }
0x44: {  	s3 =	rddreg [dreg:$0x2];
	[bflag:$0x3] =	sbarrier.arrive $0xFFFF;
	s2 =	simm.s32 @!p0 $0x1C01  }
0x45: {  	[timem:s3], [sflag:s2] =	dma.local @!p0 [hbm:s0], s1  }
0x46: {  	s0 =	simm.s32 @!p0 $0x1  }
0x47: {  	_ =	swait.ge @!p0 [sflag:s0], s1  }
0x48: {  	s1 =	ssub.s32 @!p0 $0x0, s1;
	[sflag:s0] =	ssyncset.done @!p0 $0x0  }
0x49: {  	[sflag:s0] =	ssyncadd.s32 @!p0 s1  }
0x4a: {  	[bflag:$0x3] =	sbarrier.arrive $0xFFFF  }
0x4b: {  	_ =	shalt  }

</sc_bundles>
